<compile_context>
chip_gen: v7x
topology: tpu7x:2x2x1
jax: 0.10.2.dev20260603
libtpu: 0.0.44.dev20260713+nightly
codegen_flags: <defaults>
</compile_context>

<pallas_src>
import functools

import jax
import jax.numpy as jnp
from jax import lax
from jax.experimental import pallas as pl
from jax.experimental.pallas import tpu as pltpu
from jax.experimental.pallas import tpu_sc as plsc

_NP = 10240
_RPT = 640
_CH = 128
_NC = 2
_NS = 16
_NW = _NC * _NS
_BM = 2048


def _segsum(z, srcp, dstp):
  F = z.shape[1]
  dt = z.dtype
  n_chunks = srcp.shape[1]
  mesh = plsc.VectorSubcoreMesh(core_axis_name="c", subcore_axis_name="s")
  params = pltpu.CompilerParams(use_tc_tiling_on_sc=False)
  nbuf = 12
  depth = 6

  zrows = jnp.zeros((_RPT, F), dt)
  out_type = [jax.ShapeDtypeStruct((_NC, _NP, F), dt)]
  scratch = [
      pltpu.VMEM((n_chunks, _CH), jnp.int32),
      pltpu.VMEM((n_chunks, _CH), jnp.int32),
      pltpu.VMEM((nbuf, _CH, F), dt),
      pltpu.VMEM_SHARED((_NP, F), dt),
      pltpu.SemaphoreType.DMA,
      pltpu.SemaphoreType.DMA,
  ]
  def _pipeline(z_h, src_v, dst_v, rows_v, acc_sh, gsem, ssem):
    for b in range(depth):
      pltpu.async_copy(z_h.at[src_v.at[b]], rows_v.at[b], gsem)

    def chunk(j, carry):
      b = j % nbuf
      pltpu.make_async_copy(z_h.at[src_v.at[j]], rows_v.at[b], gsem).wait()
      pltpu.async_copy(rows_v.at[b], acc_sh.at[dst_v.at[j]], ssem, add=True)

      @pl.when(j >= depth)
      def _():
        pltpu.make_async_copy(rows_v.at[0], acc_sh.at[dst_v.at[0]],
                              ssem).wait()

      @pl.when(j + depth < n_chunks)
      def _():
        pltpu.async_copy(z_h.at[src_v.at[j + depth]],
                         rows_v.at[(j + depth) % nbuf], gsem)

      return carry

    lax.fori_loop(0, n_chunks, chunk, 0)
    for _ in range(depth):
      pltpu.make_async_copy(rows_v.at[0], acc_sh.at[dst_v.at[0]], ssem).wait()

  @functools.partial(pl.kernel, out_type=out_type, mesh=mesh,
                     scratch_types=scratch, compiler_params=params)
  def seg(z_h, src_h, dst_h, zr_h, acc_o,
          src_v, dst_v, rows_v, acc_sh, gsem, ssem):
    c = lax.axis_index("c")
    s = lax.axis_index("s")
    wid = s * _NC + c
    pltpu.sync_copy(zr_h, acc_sh.at[pl.ds(s * _RPT, _RPT)])
    pltpu.sync_copy(src_h.at[wid], src_v)
    pltpu.sync_copy(dst_h.at[wid], dst_v)
    plsc.subcore_barrier()
    _pipeline(z_h, src_v, dst_v, rows_v, acc_sh, gsem, ssem)
    plsc.subcore_barrier()
    sl = pl.ds(s * _RPT, _RPT)
    pltpu.sync_copy(acc_sh.at[sl], acc_o.at[c, sl])

  return seg(z, srcp, dstp, zrows)


def _deg(dstp):
  n_chunks = dstp.shape[1]
  mesh = plsc.VectorSubcoreMesh(core_axis_name="c", subcore_axis_name="s")
  params = pltpu.CompilerParams(use_tc_tiling_on_sc=False)
  zdeg = jnp.zeros((_RPT,), jnp.float32)
  ones = jnp.ones((_CH,), jnp.float32)

  @functools.partial(
      pl.kernel,
      out_type=jax.ShapeDtypeStruct((_NC, _NP), jnp.float32),
      mesh=mesh,
      scratch_types=[
          pltpu.VMEM((n_chunks, _CH), jnp.int32),
          pltpu.VMEM((_CH,), jnp.float32),
          pltpu.VMEM_SHARED((_NP,), jnp.float32),
          pltpu.SemaphoreType.DMA,
      ],
      compiler_params=params)
  def degk(dst_h, zd_h, on_h, deg_o, dst_v, ones_v, deg_sh, dsem):
    c = lax.axis_index("c")
    s = lax.axis_index("s")
    wid = s * _NC + c
    pltpu.sync_copy(zd_h, deg_sh.at[pl.ds(s * _RPT, _RPT)])
    pltpu.sync_copy(dst_h.at[wid], dst_v)
    pltpu.sync_copy(on_h, ones_v)
    plsc.subcore_barrier()

    def fire(j, carry):
      pltpu.async_copy(ones_v, deg_sh.at[dst_v.at[j]], dsem, add=True)
      return carry

    lax.fori_loop(0, n_chunks, fire, 0)

    def drain(j, carry):
      pltpu.make_async_copy(ones_v, deg_sh.at[dst_v.at[0]], dsem).wait()
      return carry

    lax.fori_loop(0, n_chunks, drain, 0)
    plsc.subcore_barrier()
    sl = pl.ds(s * _RPT, _RPT)
    pltpu.sync_copy(deg_sh.at[sl], deg_o.at[c, sl])

  return degk(dstp, zdeg, ones)


def _mm1_body(x_ref, wa_ref, wb_ref, u_ref, z_ref):
  xb = x_ref[...]
  u_ref[...] = jnp.dot(xb, wa_ref[...], preferred_element_type=jnp.float32)
  z_ref[...] = jnp.dot(
      xb, wb_ref[...], preferred_element_type=jnp.float32).astype(z_ref.dtype)


def _mm1(x, wa, wb):
  n, fin = x.shape
  h = wa.shape[1]
  bm = n // 5
  return pl.pallas_call(
      _mm1_body,
      grid=(5,),
      in_specs=[
          pl.BlockSpec((bm, fin), lambda i: (i, 0)),
          pl.BlockSpec((fin, h), lambda i: (0, 0)),
          pl.BlockSpec((fin, h), lambda i: (0, 0)),
      ],
      out_specs=[
          pl.BlockSpec((bm, h), lambda i: (i, 0)),
          pl.BlockSpec((bm, h), lambda i: (i, 0)),
      ],
      out_shape=[
          jax.ShapeDtypeStruct((n, h), jnp.float32),
          jax.ShapeDtypeStruct((n, h), jnp.bfloat16),
      ],
  )(x, wa, wb)


def _mm2_body(u_ref, a_ref, d_ref, b_ref, w_ref, u2_ref, z2_ref):
  db = d_ref[...]
  deg = db[:, 0] + db[:, 1] + 1e-6
  asum = a_ref[0].astype(jnp.float32) + a_ref[1].astype(jnp.float32)
  agg = asum / deg[:, None]
  hid = jnp.maximum(u_ref[...] + agg + b_ref[...], 0.0)
  hz = jnp.dot(hid, w_ref[...], preferred_element_type=jnp.float32)
  o = hz.shape[1] // 2
  u2_ref[...] = hz[:, :o]
  z2_ref[...] = hz[:, o:].astype(z2_ref.dtype)


def _mm2(u, a1, degp, b1r, wc2):
  n, h = u.shape
  o = wc2.shape[1] // 2
  bm = n // 5
  return pl.pallas_call(
      _mm2_body,
      grid=(5,),
      in_specs=[
          pl.BlockSpec((bm, h), lambda i: (i, 0)),
          pl.BlockSpec((_NC, bm, h), lambda i: (0, i, 0)),
          pl.BlockSpec((bm, _NC), lambda i: (i, 0)),
          pl.BlockSpec((1, h), lambda i: (0, 0)),
          pl.BlockSpec((h, 2 * o), lambda i: (0, 0)),
      ],
      out_specs=[
          pl.BlockSpec((bm, o), lambda i: (i, 0)),
          pl.BlockSpec((bm, o), lambda i: (i, 0)),
      ],
      out_shape=[
          jax.ShapeDtypeStruct((n, o), jnp.float32),
          jax.ShapeDtypeStruct((n, o), jnp.bfloat16),
      ],
  )(u, a1, degp, b1r, wc2)


def _mm3_body(u2_ref, a_ref, d_ref, b2_ref, w3_ref, b3_ref, o_ref):
  db = d_ref[...]
  deg = db[:, 0] + db[:, 1] + 1e-6
  asum = a_ref[0].astype(jnp.float32) + a_ref[1].astype(jnp.float32)
  h2 = jnp.maximum(
      u2_ref[...] + asum / deg[:, None] + b2_ref[...], 0.0)
  logit = jnp.sum(h2 * w3_ref[...], axis=1, keepdims=True) + b3_ref[...]
  o_ref[...] = jax.nn.sigmoid(logit)


def _mm3(u2, a2, degp, b2r, w3r, b3r):
  n, o = u2.shape
  bm = n // 5
  return pl.pallas_call(
      _mm3_body,
      grid=(5,),
      in_specs=[
          pl.BlockSpec((bm, o), lambda i: (i, 0)),
          pl.BlockSpec((_NC, bm, o), lambda i: (0, i, 0)),
          pl.BlockSpec((bm, _NC), lambda i: (i, 0)),
          pl.BlockSpec((1, o), lambda i: (0, 0)),
          pl.BlockSpec((1, o), lambda i: (0, 0)),
          pl.BlockSpec((1, 1), lambda i: (0, 0)),
      ],
      out_specs=pl.BlockSpec((bm, 1), lambda i: (i, 0)),
      out_shape=jax.ShapeDtypeStruct((n, 1), jnp.float32),
  )(u2, a2, degp, b2r, w3r, b3r)


def kernel(x, edge_index, W1, b1, W2, b2, W3, b3):
  n, fin = x.shape
  e = edge_index.shape[1]
  h = W1.shape[0]
  o = W2.shape[0]

  n_chunks = -(-e // (_NW * _CH))
  ep = n_chunks * _NW * _CH
  src = jnp.pad(edge_index[0], (0, ep - e)).reshape(_NW, n_chunks, _CH)
  dst = jnp.pad(edge_index[1], (0, ep - e),
                constant_values=n).reshape(_NW, n_chunks, _CH)

  wa1 = W1[:, :fin].T
  wb1 = W1[:, fin:].T
  wc2 = jnp.concatenate([W2[:, :h].T, W2[:, h:].T], axis=1)

  xp = jnp.pad(x, ((0, _NP - n), (0, 0)))
  d = _deg(dst)
  d = d[0] if isinstance(d, (list, tuple)) else d
  degp = d.T
  u, z = _mm1(xp, wa1, wb1)
  a1 = _segsum(z, src, dst)
  a1 = a1[0] if isinstance(a1, (list, tuple)) else a1
  u2, z2 = _mm2(u, a1, degp, b1.reshape(1, h), wc2)
  a2 = _segsum(z2, src, dst)
  a2 = a2[0] if isinstance(a2, (list, tuple)) else a2
  out = _mm3(u2, a2, degp, b2.reshape(1, o), W3, b3.reshape(1, 1))
  return out[:n, 0]

# --- scband reference (transcript-rebuilt; emitter-appended) ---
"""Pipeline reference for scband-graph-sage-40785009443639 (READ-ONLY COPY).

The authoritative reference and input builder live on the scoring server;
editing this copy changes nothing except your own understanding.
"""

import jax, jax.numpy as jnp
import numpy as np

N_NODES = 10000
N_EDGES = 160000
IN_FEATS = 256
HIDDEN = 64
OUT_FEATS = 32


def setup_inputs(seed: int = 0) -> dict:
    key = jax.random.key(seed)
    ks = jax.random.split(key, 9)
    x = jax.random.normal(ks[0], (N_NODES, IN_FEATS), dtype=jnp.float32)
    edge_index = jax.random.randint(ks[1], (2, N_EDGES), 0, N_NODES, dtype=jnp.int64 if jax.config.jax_enable_x64 else jnp.int32).astype(jnp.int32)
    s1 = 1.0 / np.sqrt(IN_FEATS * 2)
    W1 = jax.random.uniform(ks[2], (HIDDEN, IN_FEATS * 2), minval=-s1, maxval=s1, dtype=jnp.float32)
    b1 = jax.random.uniform(ks[3], (HIDDEN,), minval=-s1, maxval=s1, dtype=jnp.float32)
    s2 = 1.0 / np.sqrt(HIDDEN * 2)
    W2 = jax.random.uniform(ks[4], (OUT_FEATS, HIDDEN * 2), minval=-s2, maxval=s2, dtype=jnp.float32)
    b2 = jax.random.uniform(ks[5], (OUT_FEATS,), minval=-s2, maxval=s2, dtype=jnp.float32)
    s3 = 1.0 / np.sqrt(OUT_FEATS)
    W3 = jax.random.uniform(ks[6], (1, OUT_FEATS), minval=-s3, maxval=s3, dtype=jnp.float32)
    b3 = jax.random.uniform(ks[7], (1,), minval=-s3, maxval=s3, dtype=jnp.float32)
    return {"x": x, "edge_index": edge_index, "W1": W1, "b1": b1, "W2": W2, "b2": b2, "W3": W3, "b3": b3}


def reference(x, edge_index, W1, b1, W2, b2, W3, b3):
    N = x.shape[0]
    src = edge_index[0]
    dst = edge_index[1]
    # adj[dst, src] = 1.0 ; row-sum degree, mean aggregation as in torch.sparse.mm + deg divide
    deg = jax.ops.segment_sum(jnp.ones((src.shape[0],), dtype=x.dtype), dst, num_segments=N)[:, None] + 1e-06

    def aggregate(h):
        neigh_sum = jax.ops.segment_sum(h[src], dst, num_segments=N)
        return neigh_sum / deg

    h_neigh = aggregate(x)
    h = jnp.concatenate([x, h_neigh], axis=1)
    h = jax.nn.relu(h @ W1.T + b1)
    h_neigh2 = aggregate(h)
    h2 = jnp.concatenate([h, h_neigh2], axis=1)
    h2 = jax.nn.relu(h2 @ W2.T + b2)
    out = jax.nn.sigmoid(h2 @ W3.T + b3).squeeze(1)
    return out

if __name__ == "__main__":
    import jax
    _d = setup_inputs()
    print(jax.jit(kernel)(*tuple(_d.values())))

</pallas_src>

<mosaic_0001>
#map = affine_map<(d0, d1) -> (0, 0)>
#map1 = affine_map<(d0, d1) -> (0, 0, 0)>
module attributes {stable_mosaic.version = 14 : i64} {
  func.func @seg(%arg0: i32, %arg1: i32, %arg2: memref<10240x32xbf16, #tpu.memory_space<hbm>>, %arg3: memref<32x40x128xi32, #tpu.memory_space<hbm>>, %arg4: memref<32x40x128xi32, #tpu.memory_space<hbm>>, %arg5: memref<640x32xbf16, #tpu.memory_space<hbm>>, %arg6: memref<2x10240x32xbf16, #tpu.memory_space<hbm>>, %arg7: memref<40x128xi32, #tpu.memory_space<vmem>>, %arg8: memref<40x128xi32, #tpu.memory_space<vmem>>, %arg9: memref<12x128x32xbf16, #tpu.memory_space<vmem>>, %arg10: memref<10240x32xbf16, #tpu.memory_space<vmem_shared>>, %arg11: memref<!tpu.dma_semaphore, #tpu.memory_space<semaphore_mem>>, %arg12: memref<!tpu.dma_semaphore, #tpu.memory_space<semaphore_mem>>) attributes {dimension_semantics = [#tpu.dimension_semantics<core_parallel>, #tpu.dimension_semantics<subcore_parallel>], iteration_bounds = array<i64: 2, 16>, scalar_prefetch = 0 : i64, scratch_operands = 6 : i64, tpu.core_type = #tpu.core_type<sc_vector_subcore>, window_params = [{transform_indices = #map}, {transform_indices = #map1}, {transform_indices = #map1}, {transform_indices = #map}, {transform_indices = #map1}]} {
    %mul3A = arith.constant 2 : i32
    %mul3A_0 = arith.muli %arg1, %mul3A : i32
    %add3A = arith.addi %mul3A_0, %arg0 : i32
    %mul3A_1 = arith.constant 640 : i32
    %mul3A_2 = arith.muli %arg1, %mul3A_1 : i32
    "tpu.region"() ({
      %run_scoped3A = tpu.sem_alloc : memref<!tpu.dma_semaphore, #tpu.memory_space<semaphore_mem>>
      %dma_start3A_153 = arith.constant 0 : i32
      %dma_start3A_154 = tpu.memref_slice %arg10[%mul3A_2, %dma_start3A_153] : memref<10240x32xbf16, #tpu.memory_space<vmem_shared>> -> memref<640x32xbf16, #tpu.memory_space<vmem_shared>>
      tpu.enqueue_dma source(%arg5 : memref<640x32xbf16, #tpu.memory_space<hbm>>) target(%dma_start3A_154 : memref<640x32xbf16, #tpu.memory_space<vmem_shared>>) target_semaphore(%run_scoped3A : memref<!tpu.dma_semaphore, #tpu.memory_space<semaphore_mem>>)
      %dma_wait3A_155 = arith.constant 0 : i32
      %dma_wait3A_156 = tpu.memref_slice %arg10[%mul3A_2, %dma_wait3A_155] : memref<10240x32xbf16, #tpu.memory_space<vmem_shared>> -> memref<640x32xbf16, #tpu.memory_space<vmem_shared>>
      tpu.wait_dma2 semaphore(%run_scoped3A : memref<!tpu.dma_semaphore, #tpu.memory_space<semaphore_mem>>) src(%arg5 : memref<640x32xbf16, #tpu.memory_space<hbm>>) dst(%dma_wait3A_156 : memref<640x32xbf16, #tpu.memory_space<vmem_shared>>)
      tpu.yield
    }) : () -> ()
    "tpu.region"() ({
      %run_scoped3A = tpu.sem_alloc : memref<!tpu.dma_semaphore, #tpu.memory_space<semaphore_mem>>
      %dma_start3A_153 = arith.constant 0 : i32
      %dma_start3A_154 = arith.constant 0 : i32
      %dma_start3A_155 = tpu.memref_slice %arg3[%add3A, %dma_start3A_153, %dma_start3A_154] : memref<32x40x128xi32, #tpu.memory_space<hbm>> -> memref<1x40x128xi32, #tpu.memory_space<hbm>>
      %dma_start3A_156 = tpu.memref_squeeze %dma_start3A_155 : memref<1x40x128xi32, #tpu.memory_space<hbm>> -> memref<40x128xi32, #tpu.memory_space<hbm>>
      %dma_start3A_157 = arith.constant 0 : i32
      %dma_start3A_158 = arith.constant 0 : i32
      %dma_start3A_159 = tpu.memref_slice %arg3[%add3A, %dma_start3A_157, %dma_start3A_158] : memref<32x40x128xi32, #tpu.memory_space<hbm>> -> memref<1x40x128xi32, #tpu.memory_space<hbm>>
      %dma_start3A_160 = tpu.memref_squeeze %dma_start3A_159 : memref<1x40x128xi32, #tpu.memory_space<hbm>> -> memref<40x128xi32, #tpu.memory_space<hbm>>
      tpu.enqueue_dma source(%dma_start3A_160 : memref<40x128xi32, #tpu.memory_space<hbm>>) target(%arg7 : memref<40x128xi32, #tpu.memory_space<vmem>>) target_semaphore(%run_scoped3A : memref<!tpu.dma_semaphore, #tpu.memory_space<semaphore_mem>>)
      %dma_wait3A_161 = arith.constant 0 : i32
      %dma_wait3A_162 = arith.constant 0 : i32
      %dma_wait3A_163 = tpu.memref_slice %arg3[%add3A, %dma_wait3A_161, %dma_wait3A_162] : memref<32x40x128xi32, #tpu.memory_space<hbm>> -> memref<1x40x128xi32, #tpu.memory_space<hbm>>
      %dma_wait3A_164 = tpu.memref_squeeze %dma_wait3A_163 : memref<1x40x128xi32, #tpu.memory_space<hbm>> -> memref<40x128xi32, #tpu.memory_space<hbm>>
      %dma_wait3A_165 = arith.constant 0 : i32
      %dma_wait3A_166 = arith.constant 0 : i32
      %dma_wait3A_167 = tpu.memref_slice %arg3[%add3A, %dma_wait3A_165, %dma_wait3A_166] : memref<32x40x128xi32, #tpu.memory_space<hbm>> -> memref<1x40x128xi32, #tpu.memory_space<hbm>>
      %dma_wait3A_168 = tpu.memref_squeeze %dma_wait3A_167 : memref<1x40x128xi32, #tpu.memory_space<hbm>> -> memref<40x128xi32, #tpu.memory_space<hbm>>
      tpu.wait_dma2 semaphore(%run_scoped3A : memref<!tpu.dma_semaphore, #tpu.memory_space<semaphore_mem>>) src(%dma_wait3A_168 : memref<40x128xi32, #tpu.memory_space<hbm>>) dst(%arg7 : memref<40x128xi32, #tpu.memory_space<vmem>>)
      tpu.yield
    }) : () -> ()
    "tpu.region"() ({
      %run_scoped3A = tpu.sem_alloc : memref<!tpu.dma_semaphore, #tpu.memory_space<semaphore_mem>>
      %dma_start3A_153 = arith.constant 0 : i32
      %dma_start3A_154 = arith.constant 0 : i32
      %dma_start3A_155 = tpu.memref_slice %arg4[%add3A, %dma_start3A_153, %dma_start3A_154] : memref<32x40x128xi32, #tpu.memory_space<hbm>> -> memref<1x40x128xi32, #tpu.memory_space<hbm>>
      %dma_start3A_156 = tpu.memref_squeeze %dma_start3A_155 : memref<1x40x128xi32, #tpu.memory_space<hbm>> -> memref<40x128xi32, #tpu.memory_space<hbm>>
      %dma_start3A_157 = arith.constant 0 : i32
      %dma_start3A_158 = arith.constant 0 : i32
      %dma_start3A_159 = tpu.memref_slice %arg4[%add3A, %dma_start3A_157, %dma_start3A_158] : memref<32x40x128xi32, #tpu.memory_space<hbm>> -> memref<1x40x128xi32, #tpu.memory_space<hbm>>
      %dma_start3A_160 = tpu.memref_squeeze %dma_start3A_159 : memref<1x40x128xi32, #tpu.memory_space<hbm>> -> memref<40x128xi32, #tpu.memory_space<hbm>>
      tpu.enqueue_dma source(%dma_start3A_160 : memref<40x128xi32, #tpu.memory_space<hbm>>) target(%arg8 : memref<40x128xi32, #tpu.memory_space<vmem>>) target_semaphore(%run_scoped3A : memref<!tpu.dma_semaphore, #tpu.memory_space<semaphore_mem>>)
      %dma_wait3A_161 = arith.constant 0 : i32
      %dma_wait3A_162 = arith.constant 0 : i32
      %dma_wait3A_163 = tpu.memref_slice %arg4[%add3A, %dma_wait3A_161, %dma_wait3A_162] : memref<32x40x128xi32, #tpu.memory_space<hbm>> -> memref<1x40x128xi32, #tpu.memory_space<hbm>>
      %dma_wait3A_164 = tpu.memref_squeeze %dma_wait3A_163 : memref<1x40x128xi32, #tpu.memory_space<hbm>> -> memref<40x128xi32, #tpu.memory_space<hbm>>
      %dma_wait3A_165 = arith.constant 0 : i32
      %dma_wait3A_166 = arith.constant 0 : i32
      %dma_wait3A_167 = tpu.memref_slice %arg4[%add3A, %dma_wait3A_165, %dma_wait3A_166] : memref<32x40x128xi32, #tpu.memory_space<hbm>> -> memref<1x40x128xi32, #tpu.memory_space<hbm>>
      %dma_wait3A_168 = tpu.memref_squeeze %dma_wait3A_167 : memref<1x40x128xi32, #tpu.memory_space<hbm>> -> memref<40x128xi32, #tpu.memory_space<hbm>>
      tpu.wait_dma2 semaphore(%run_scoped3A : memref<!tpu.dma_semaphore, #tpu.memory_space<semaphore_mem>>) src(%dma_wait3A_168 : memref<40x128xi32, #tpu.memory_space<hbm>>) dst(%arg8 : memref<40x128xi32, #tpu.memory_space<vmem>>)
      tpu.yield
    }) : () -> ()
    %barrier3A = arith.constant 0 : index
    tpu.barrier barrier_id(%barrier3A)
    %dma_start3A = arith.constant 0 : i32
    %dma_start3A_3 = arith.constant 0 : i32
    %dma_start3A_4 = arith.constant 0 : i32
    %dma_start3A_5 = arith.constant 0 : i32
    %dma_start3A_6 = tpu.memref_slice %arg9[%dma_start3A_3, %dma_start3A_4, %dma_start3A_5] : memref<12x128x32xbf16, #tpu.memory_space<vmem>> -> memref<1x128x32xbf16, #tpu.memory_space<vmem>>
    %dma_start3A_7 = tpu.memref_squeeze %dma_start3A_6 : memref<1x128x32xbf16, #tpu.memory_space<vmem>> -> memref<128x32xbf16, #tpu.memory_space<vmem>>
    %dma_start3A_8 = arith.constant 0 : i32
    %dma_start3A_9 = tpu.memref_slice %arg7[%dma_start3A, %dma_start3A_8] : memref<40x128xi32, #tpu.memory_space<vmem>> -> memref<1x128xi32, #tpu.memory_space<vmem>>
    %dma_start3A_10 = tpu.memref_squeeze %dma_start3A_9 : memref<1x128xi32, #tpu.memory_space<vmem>> -> memref<128xi32, #tpu.memory_space<vmem>>
    %dma_start3A_11 = arith.constant 0 : i32
    %dma_start3A_12 = arith.constant 0 : i32
    %dma_start3A_13 = tpu.memref_slice %arg2[%dma_start3A_11, %dma_start3A_12] : memref<10240x32xbf16, #tpu.memory_space<hbm>> -> memref<10240x32xbf16, #tpu.memory_space<hbm>>
    tpu.enqueue_indirect_dma source(%dma_start3A_13 : memref<10240x32xbf16, #tpu.memory_space<hbm>>) target(%dma_start3A_7 : memref<128x32xbf16, #tpu.memory_space<vmem>>) offsets(%dma_start3A_10 : memref<128xi32, #tpu.memory_space<vmem>>) semaphore(%arg11 : memref<!tpu.dma_semaphore, #tpu.memory_space<semaphore_mem>>)
    %dma_start3A_14 = arith.constant 1 : i32
    %dma_start3A_15 = arith.constant 1 : i32
    %dma_start3A_16 = arith.constant 0 : i32
    %dma_start3A_17 = arith.constant 0 : i32
    %dma_start3A_18 = tpu.memref_slice %arg9[%dma_start3A_15, %dma_start3A_16, %dma_start3A_17] : memref<12x128x32xbf16, #tpu.memory_space<vmem>> -> memref<1x128x32xbf16, #tpu.memory_space<vmem>>
    %dma_start3A_19 = tpu.memref_squeeze %dma_start3A_18 : memref<1x128x32xbf16, #tpu.memory_space<vmem>> -> memref<128x32xbf16, #tpu.memory_space<vmem>>
    %dma_start3A_20 = arith.constant 0 : i32
    %dma_start3A_21 = tpu.memref_slice %arg7[%dma_start3A_14, %dma_start3A_20] : memref<40x128xi32, #tpu.memory_space<vmem>> -> memref<1x128xi32, #tpu.memory_space<vmem>>
    %dma_start3A_22 = tpu.memref_squeeze %dma_start3A_21 : memref<1x128xi32, #tpu.memory_space<vmem>> -> memref<128xi32, #tpu.memory_space<vmem>>
    %dma_start3A_23 = arith.constant 0 : i32
    %dma_start3A_24 = arith.constant 0 : i32
    %dma_start3A_25 = tpu.memref_slice %arg2[%dma_start3A_23, %dma_start3A_24] : memref<10240x32xbf16, #tpu.memory_space<hbm>> -> memref<10240x32xbf16, #tpu.memory_space<hbm>>
    tpu.enqueue_indirect_dma source(%dma_start3A_25 : memref<10240x32xbf16, #tpu.memory_space<hbm>>) target(%dma_start3A_19 : memref<128x32xbf16, #tpu.memory_space<vmem>>) offsets(%dma_start3A_22 : memref<128xi32, #tpu.memory_space<vmem>>) semaphore(%arg11 : memref<!tpu.dma_semaphore, #tpu.memory_space<semaphore_mem>>)
    %dma_start3A_26 = arith.constant 2 : i32
    %dma_start3A_27 = arith.constant 2 : i32
    %dma_start3A_28 = arith.constant 0 : i32
    %dma_start3A_29 = arith.constant 0 : i32
    %dma_start3A_30 = tpu.memref_slice %arg9[%dma_start3A_27, %dma_start3A_28, %dma_start3A_29] : memref<12x128x32xbf16, #tpu.memory_space<vmem>> -> memref<1x128x32xbf16, #tpu.memory_space<vmem>>
    %dma_start3A_31 = tpu.memref_squeeze %dma_start3A_30 : memref<1x128x32xbf16, #tpu.memory_space<vmem>> -> memref<128x32xbf16, #tpu.memory_space<vmem>>
    %dma_start3A_32 = arith.constant 0 : i32
    %dma_start3A_33 = tpu.memref_slice %arg7[%dma_start3A_26, %dma_start3A_32] : memref<40x128xi32, #tpu.memory_space<vmem>> -> memref<1x128xi32, #tpu.memory_space<vmem>>
    %dma_start3A_34 = tpu.memref_squeeze %dma_start3A_33 : memref<1x128xi32, #tpu.memory_space<vmem>> -> memref<128xi32, #tpu.memory_space<vmem>>
    %dma_start3A_35 = arith.constant 0 : i32
    %dma_start3A_36 = arith.constant 0 : i32
    %dma_start3A_37 = tpu.memref_slice %arg2[%dma_start3A_35, %dma_start3A_36] : memref<10240x32xbf16, #tpu.memory_space<hbm>> -> memref<10240x32xbf16, #tpu.memory_space<hbm>>
    tpu.enqueue_indirect_dma source(%dma_start3A_37 : memref<10240x32xbf16, #tpu.memory_space<hbm>>) target(%dma_start3A_31 : memref<128x32xbf16, #tpu.memory_space<vmem>>) offsets(%dma_start3A_34 : memref<128xi32, #tpu.memory_space<vmem>>) semaphore(%arg11 : memref<!tpu.dma_semaphore, #tpu.memory_space<semaphore_mem>>)
    %dma_start3A_38 = arith.constant 3 : i32
    %dma_start3A_39 = arith.constant 3 : i32
    %dma_start3A_40 = arith.constant 0 : i32
    %dma_start3A_41 = arith.constant 0 : i32
    %dma_start3A_42 = tpu.memref_slice %arg9[%dma_start3A_39, %dma_start3A_40, %dma_start3A_41] : memref<12x128x32xbf16, #tpu.memory_space<vmem>> -> memref<1x128x32xbf16, #tpu.memory_space<vmem>>
    %dma_start3A_43 = tpu.memref_squeeze %dma_start3A_42 : memref<1x128x32xbf16, #tpu.memory_space<vmem>> -> memref<128x32xbf16, #tpu.memory_space<vmem>>
    %dma_start3A_44 = arith.constant 0 : i32
    %dma_start3A_45 = tpu.memref_slice %arg7[%dma_start3A_38, %dma_start3A_44] : memref<40x128xi32, #tpu.memory_space<vmem>> -> memref<1x128xi32, #tpu.memory_space<vmem>>
    %dma_start3A_46 = tpu.memref_squeeze %dma_start3A_45 : memref<1x128xi32, #tpu.memory_space<vmem>> -> memref<128xi32, #tpu.memory_space<vmem>>
    %dma_start3A_47 = arith.constant 0 : i32
    %dma_start3A_48 = arith.constant 0 : i32
    %dma_start3A_49 = tpu.memref_slice %arg2[%dma_start3A_47, %dma_start3A_48] : memref<10240x32xbf16, #tpu.memory_space<hbm>> -> memref<10240x32xbf16, #tpu.memory_space<hbm>>
    tpu.enqueue_indirect_dma source(%dma_start3A_49 : memref<10240x32xbf16, #tpu.memory_space<hbm>>) target(%dma_start3A_43 : memref<128x32xbf16, #tpu.memory_space<vmem>>) offsets(%dma_start3A_46 : memref<128xi32, #tpu.memory_space<vmem>>) semaphore(%arg11 : memref<!tpu.dma_semaphore, #tpu.memory_space<semaphore_mem>>)
    %dma_start3A_50 = arith.constant 4 : i32
    %dma_start3A_51 = arith.constant 4 : i32
    %dma_start3A_52 = arith.constant 0 : i32
    %dma_start3A_53 = arith.constant 0 : i32
    %dma_start3A_54 = tpu.memref_slice %arg9[%dma_start3A_51, %dma_start3A_52, %dma_start3A_53] : memref<12x128x32xbf16, #tpu.memory_space<vmem>> -> memref<1x128x32xbf16, #tpu.memory_space<vmem>>
    %dma_start3A_55 = tpu.memref_squeeze %dma_start3A_54 : memref<1x128x32xbf16, #tpu.memory_space<vmem>> -> memref<128x32xbf16, #tpu.memory_space<vmem>>
    %dma_start3A_56 = arith.constant 0 : i32
    %dma_start3A_57 = tpu.memref_slice %arg7[%dma_start3A_50, %dma_start3A_56] : memref<40x128xi32, #tpu.memory_space<vmem>> -> memref<1x128xi32, #tpu.memory_space<vmem>>
    %dma_start3A_58 = tpu.memref_squeeze %dma_start3A_57 : memref<1x128xi32, #tpu.memory_space<vmem>> -> memref<128xi32, #tpu.memory_space<vmem>>
    %dma_start3A_59 = arith.constant 0 : i32
    %dma_start3A_60 = arith.constant 0 : i32
    %dma_start3A_61 = tpu.memref_slice %arg2[%dma_start3A_59, %dma_start3A_60] : memref<10240x32xbf16, #tpu.memory_space<hbm>> -> memref<10240x32xbf16, #tpu.memory_space<hbm>>
    tpu.enqueue_indirect_dma source(%dma_start3A_61 : memref<10240x32xbf16, #tpu.memory_space<hbm>>) target(%dma_start3A_55 : memref<128x32xbf16, #tpu.memory_space<vmem>>) offsets(%dma_start3A_58 : memref<128xi32, #tpu.memory_space<vmem>>) semaphore(%arg11 : memref<!tpu.dma_semaphore, #tpu.memory_space<semaphore_mem>>)
    %dma_start3A_62 = arith.constant 5 : i32
    %dma_start3A_63 = arith.constant 5 : i32
    %dma_start3A_64 = arith.constant 0 : i32
    %dma_start3A_65 = arith.constant 0 : i32
    %dma_start3A_66 = tpu.memref_slice %arg9[%dma_start3A_63, %dma_start3A_64, %dma_start3A_65] : memref<12x128x32xbf16, #tpu.memory_space<vmem>> -> memref<1x128x32xbf16, #tpu.memory_space<vmem>>
    %dma_start3A_67 = tpu.memref_squeeze %dma_start3A_66 : memref<1x128x32xbf16, #tpu.memory_space<vmem>> -> memref<128x32xbf16, #tpu.memory_space<vmem>>
    %dma_start3A_68 = arith.constant 0 : i32
    %dma_start3A_69 = tpu.memref_slice %arg7[%dma_start3A_62, %dma_start3A_68] : memref<40x128xi32, #tpu.memory_space<vmem>> -> memref<1x128xi32, #tpu.memory_space<vmem>>
    %dma_start3A_70 = tpu.memref_squeeze %dma_start3A_69 : memref<1x128xi32, #tpu.memory_space<vmem>> -> memref<128xi32, #tpu.memory_space<vmem>>
    %dma_start3A_71 = arith.constant 0 : i32
    %dma_start3A_72 = arith.constant 0 : i32
    %dma_start3A_73 = tpu.memref_slice %arg2[%dma_start3A_71, %dma_start3A_72] : memref<10240x32xbf16, #tpu.memory_space<hbm>> -> memref<10240x32xbf16, #tpu.memory_space<hbm>>
    tpu.enqueue_indirect_dma source(%dma_start3A_73 : memref<10240x32xbf16, #tpu.memory_space<hbm>>) target(%dma_start3A_67 : memref<128x32xbf16, #tpu.memory_space<vmem>>) offsets(%dma_start3A_70 : memref<128xi32, #tpu.memory_space<vmem>>) semaphore(%arg11 : memref<!tpu.dma_semaphore, #tpu.memory_space<semaphore_mem>>)
    %scan3A = arith.constant 0 : i32
    %scan3A_74 = arith.constant 0 : i32
    %scan3A_75 = arith.constant 40 : i32
    %scan3A_76 = arith.addi %scan3A_74, %scan3A_75 : i32
    %scan3A_77 = arith.constant 1 : i32
    scf.for %scan3A_153 = %scan3A_74 to %scan3A_76 step %scan3A_77  : i32 {
      %jit3A = arith.constant 12 : i32
      %eq3A = arith.constant 0 : i32
      %eq3A_154 = arith.cmpi eq, %jit3A, %eq3A : i32
      %jit3A_155 = arith.constant 1 : i32
      %select_n3A = arith.select %eq3A_154, %jit3A_155, %jit3A : i32
      %rem3A = arith.remsi %scan3A_153, %select_n3A : i32
      %ne3A = arith.constant 0 : i32
      %ne3A_156 = arith.cmpi ne, %rem3A, %ne3A : i32
      %lt3A = arith.constant 0 : i32
      %lt3A_157 = arith.cmpi slt, %rem3A, %lt3A : i32
      %lt3A_158 = arith.constant 0 : i32
      %lt3A_159 = arith.cmpi slt, %select_n3A, %lt3A_158 : i32
      %ne3A_160 = arith.xori %lt3A_157, %lt3A_159 : i1
      %and3A = arith.andi %ne3A_160, %ne3A_156 : i1
      %add3A_161 = arith.addi %rem3A, %select_n3A : i32
      %select_n3A_162 = arith.select %and3A, %add3A_161, %rem3A : i32
      %dma_wait3A_163 = arith.constant 0 : i32
      %dma_wait3A_164 = arith.constant 0 : i32
      %dma_wait3A_165 = tpu.memref_slice %arg9[%select_n3A_162, %dma_wait3A_163, %dma_wait3A_164] : memref<12x128x32xbf16, #tpu.memory_space<vmem>> -> memref<1x128x32xbf16, #tpu.memory_space<vmem>>
      %dma_wait3A_166 = tpu.memref_squeeze %dma_wait3A_165 : memref<1x128x32xbf16, #tpu.memory_space<vmem>> -> memref<128x32xbf16, #tpu.memory_space<vmem>>
      %dma_wait3A_167 = arith.constant 0 : i32
      %dma_wait3A_168 = tpu.memref_slice %arg7[%scan3A_153, %dma_wait3A_167] : memref<40x128xi32, #tpu.memory_space<vmem>> -> memref<1x128xi32, #tpu.memory_space<vmem>>
      %dma_wait3A_169 = tpu.memref_squeeze %dma_wait3A_168 : memref<1x128xi32, #tpu.memory_space<vmem>> -> memref<128xi32, #tpu.memory_space<vmem>>
      %dma_wait3A_170 = arith.constant 0 : i32
      %dma_wait3A_171 = arith.constant 0 : i32
      %dma_wait3A_172 = tpu.memref_slice %arg2[%dma_wait3A_170, %dma_wait3A_171] : memref<10240x32xbf16, #tpu.memory_space<hbm>> -> memref<10240x32xbf16, #tpu.memory_space<hbm>>
      tpu.wait_indirect_dma semaphore(%arg11 : memref<!tpu.dma_semaphore, #tpu.memory_space<semaphore_mem>>) src(%dma_wait3A_172 : memref<10240x32xbf16, #tpu.memory_space<hbm>>) dst(%dma_wait3A_166 : memref<128x32xbf16, #tpu.memory_space<vmem>>)
      %dma_start3A_173 = arith.constant 0 : i32
      %dma_start3A_174 = arith.constant 0 : i32
      %dma_start3A_175 = tpu.memref_slice %arg9[%select_n3A_162, %dma_start3A_173, %dma_start3A_174] : memref<12x128x32xbf16, #tpu.memory_space<vmem>> -> memref<1x128x32xbf16, #tpu.memory_space<vmem>>
      %dma_start3A_176 = tpu.memref_squeeze %dma_start3A_175 : memref<1x128x32xbf16, #tpu.memory_space<vmem>> -> memref<128x32xbf16, #tpu.memory_space<vmem>>
      %dma_start3A_177 = arith.constant 0 : i32
      %dma_start3A_178 = tpu.memref_slice %arg8[%scan3A_153, %dma_start3A_177] : memref<40x128xi32, #tpu.memory_space<vmem>> -> memref<1x128xi32, #tpu.memory_space<vmem>>
      %dma_start3A_179 = tpu.memref_squeeze %dma_start3A_178 : memref<1x128xi32, #tpu.memory_space<vmem>> -> memref<128xi32, #tpu.memory_space<vmem>>
      %dma_start3A_180 = arith.constant 0 : i32
      %dma_start3A_181 = arith.constant 0 : i32
      %dma_start3A_182 = tpu.memref_slice %arg10[%dma_start3A_180, %dma_start3A_181] : memref<10240x32xbf16, #tpu.memory_space<vmem_shared>> -> memref<10240x32xbf16, #tpu.memory_space<vmem_shared>>
      tpu.enqueue_indirect_dma source(%dma_start3A_176 : memref<128x32xbf16, #tpu.memory_space<vmem>>) target(%dma_start3A_182 : memref<10240x32xbf16, #tpu.memory_space<vmem_shared>>) offsets(%dma_start3A_179 : memref<128xi32, #tpu.memory_space<vmem>>) semaphore(%arg12 : memref<!tpu.dma_semaphore, #tpu.memory_space<semaphore_mem>>) {add = true}
      %ge3A = arith.constant 6 : i32
      %ge3A_183 = arith.cmpi sge, %scan3A_153, %ge3A : i32
      %convert_element_type3A = arith.extui %ge3A_183 : i1 to i32
      %cond3A = arith.constant 0 : i32
      %cond3A_184 = arith.cmpi ne, %convert_element_type3A, %cond3A : i32
      scf.if %cond3A_184 {
        %dma_wait3A_192 = arith.constant 0 : i32
        %dma_wait3A_193 = arith.constant 0 : i32
        %dma_wait3A_194 = arith.constant 0 : i32
        %dma_wait3A_195 = arith.constant 0 : i32
        %dma_wait3A_196 = tpu.memref_slice %arg9[%dma_wait3A_192, %dma_wait3A_194, %dma_wait3A_195] : memref<12x128x32xbf16, #tpu.memory_space<vmem>> -> memref<1x128x32xbf16, #tpu.memory_space<vmem>>
        %dma_wait3A_197 = tpu.memref_squeeze %dma_wait3A_196 : memref<1x128x32xbf16, #tpu.memory_space<vmem>> -> memref<128x32xbf16, #tpu.memory_space<vmem>>
        %dma_wait3A_198 = arith.constant 0 : i32
        %dma_wait3A_199 = tpu.memref_slice %arg8[%dma_wait3A_193, %dma_wait3A_198] : memref<40x128xi32, #tpu.memory_space<vmem>> -> memref<1x128xi32, #tpu.memory_space<vmem>>
        %dma_wait3A_200 = tpu.memref_squeeze %dma_wait3A_199 : memref<1x128xi32, #tpu.memory_space<vmem>> -> memref<128xi32, #tpu.memory_space<vmem>>
        %dma_wait3A_201 = arith.constant 0 : i32
        %dma_wait3A_202 = arith.constant 0 : i32
        %dma_wait3A_203 = tpu.memref_slice %arg10[%dma_wait3A_201, %dma_wait3A_202] : memref<10240x32xbf16, #tpu.memory_space<vmem_shared>> -> memref<10240x32xbf16, #tpu.memory_space<vmem_shared>>
        tpu.wait_indirect_dma semaphore(%arg12 : memref<!tpu.dma_semaphore, #tpu.memory_space<semaphore_mem>>) src(%dma_wait3A_197 : memref<128x32xbf16, #tpu.memory_space<vmem>>) dst(%dma_wait3A_203 : memref<10240x32xbf16, #tpu.memory_space<vmem_shared>>)
      } else {
      }
      %add3A_185 = arith.constant 6 : i32
      %add3A_186 = arith.addi %scan3A_153, %add3A_185 : i32
      %lt3A_187 = arith.constant 40 : i32
      %lt3A_188 = arith.cmpi slt, %add3A_186, %lt3A_187 : i32
      %convert_element_type3A_189 = arith.extui %lt3A_188 : i1 to i32
      %cond3A_190 = arith.constant 0 : i32
      %cond3A_191 = arith.cmpi ne, %convert_element_type3A_189, %cond3A_190 : i32
      scf.if %cond3A_191 {
        %add3A_192 = arith.constant 6 : i32
        %add3A_193 = arith.addi %scan3A_153, %add3A_192 : i32
        %add3A_194 = arith.constant 6 : i32
        %add3A_195 = arith.addi %scan3A_153, %add3A_194 : i32
        %jit3A_196 = arith.constant 12 : i32
        %eq3A_197 = arith.constant 0 : i32
        %eq3A_198 = arith.cmpi eq, %jit3A_196, %eq3A_197 : i32
        %jit3A_199 = arith.constant 1 : i32
        %select_n3A_200 = arith.select %eq3A_198, %jit3A_199, %jit3A_196 : i32
        %rem3A_201 = arith.remsi %add3A_195, %select_n3A_200 : i32
        %ne3A_202 = arith.constant 0 : i32
        %ne3A_203 = arith.cmpi ne, %rem3A_201, %ne3A_202 : i32
        %lt3A_204 = arith.constant 0 : i32
        %lt3A_205 = arith.cmpi slt, %rem3A_201, %lt3A_204 : i32
        %lt3A_206 = arith.constant 0 : i32
        %lt3A_207 = arith.cmpi slt, %select_n3A_200, %lt3A_206 : i32
        %ne3A_208 = arith.xori %lt3A_205, %lt3A_207 : i1
        %and3A_209 = arith.andi %ne3A_208, %ne3A_203 : i1
        %add3A_210 = arith.addi %rem3A_201, %select_n3A_200 : i32
        %select_n3A_211 = arith.select %and3A_209, %add3A_210, %rem3A_201 : i32
        %dma_start3A_212 = arith.constant 0 : i32
        %dma_start3A_213 = arith.constant 0 : i32
        %dma_start3A_214 = tpu.memref_slice %arg9[%select_n3A_211, %dma_start3A_212, %dma_start3A_213] : memref<12x128x32xbf16, #tpu.memory_space<vmem>> -> memref<1x128x32xbf16, #tpu.memory_space<vmem>>
        %dma_start3A_215 = tpu.memref_squeeze %dma_start3A_214 : memref<1x128x32xbf16, #tpu.memory_space<vmem>> -> memref<128x32xbf16, #tpu.memory_space<vmem>>
        %dma_start3A_216 = arith.constant 0 : i32
        %dma_start3A_217 = tpu.memref_slice %arg7[%add3A_193, %dma_start3A_216] : memref<40x128xi32, #tpu.memory_space<vmem>> -> memref<1x128xi32, #tpu.memory_space<vmem>>
        %dma_start3A_218 = tpu.memref_squeeze %dma_start3A_217 : memref<1x128xi32, #tpu.memory_space<vmem>> -> memref<128xi32, #tpu.memory_space<vmem>>
        %dma_start3A_219 = arith.constant 0 : i32
        %dma_start3A_220 = arith.constant 0 : i32
        %dma_start3A_221 = tpu.memref_slice %arg2[%dma_start3A_219, %dma_start3A_220] : memref<10240x32xbf16, #tpu.memory_space<hbm>> -> memref<10240x32xbf16, #tpu.memory_space<hbm>>
        tpu.enqueue_indirect_dma source(%dma_start3A_221 : memref<10240x32xbf16, #tpu.memory_space<hbm>>) target(%dma_start3A_215 : memref<128x32xbf16, #tpu.memory_space<vmem>>) offsets(%dma_start3A_218 : memref<128xi32, #tpu.memory_space<vmem>>) semaphore(%arg11 : memref<!tpu.dma_semaphore, #tpu.memory_space<semaphore_mem>>)
      } else {
      }
    }
    %scan3A_78 = arith.constant 40 : i32
    %dma_wait3A = arith.constant 0 : i32
    %dma_wait3A_79 = arith.constant 0 : i32
    %dma_wait3A_80 = arith.constant 0 : i32
    %dma_wait3A_81 = arith.constant 0 : i32
    %dma_wait3A_82 = tpu.memref_slice %arg9[%dma_wait3A, %dma_wait3A_80, %dma_wait3A_81] : memref<12x128x32xbf16, #tpu.memory_space<vmem>> -> memref<1x128x32xbf16, #tpu.memory_space<vmem>>
    %dma_wait3A_83 = tpu.memref_squeeze %dma_wait3A_82 : memref<1x128x32xbf16, #tpu.memory_space<vmem>> -> memref<128x32xbf16, #tpu.memory_space<vmem>>
    %dma_wait3A_84 = arith.constant 0 : i32
    %dma_wait3A_85 = tpu.memref_slice %arg8[%dma_wait3A_79, %dma_wait3A_84] : memref<40x128xi32, #tpu.memory_space<vmem>> -> memref<1x128xi32, #tpu.memory_space<vmem>>
    %dma_wait3A_86 = tpu.memref_squeeze %dma_wait3A_85 : memref<1x128xi32, #tpu.memory_space<vmem>> -> memref<128xi32, #tpu.memory_space<vmem>>
    %dma_wait3A_87 = arith.constant 0 : i32
    %dma_wait3A_88 = arith.constant 0 : i32
    %dma_wait3A_89 = tpu.memref_slice %arg10[%dma_wait3A_87, %dma_wait3A_88] : memref<10240x32xbf16, #tpu.memory_space<vmem_shared>> -> memref<10240x32xbf16, #tpu.memory_space<vmem_shared>>
    tpu.wait_indirect_dma semaphore(%arg12 : memref<!tpu.dma_semaphore, #tpu.memory_space<semaphore_mem>>) src(%dma_wait3A_83 : memref<128x32xbf16, #tpu.memory_space<vmem>>) dst(%dma_wait3A_89 : memref<10240x32xbf16, #tpu.memory_space<vmem_shared>>)
    %dma_wait3A_90 = arith.constant 0 : i32
    %dma_wait3A_91 = arith.constant 0 : i32
    %dma_wait3A_92 = arith.constant 0 : i32
    %dma_wait3A_93 = arith.constant 0 : i32
    %dma_wait3A_94 = tpu.memref_slice %arg9[%dma_wait3A_90, %dma_wait3A_92, %dma_wait3A_93] : memref<12x128x32xbf16, #tpu.memory_space<vmem>> -> memref<1x128x32xbf16, #tpu.memory_space<vmem>>
    %dma_wait3A_95 = tpu.memref_squeeze %dma_wait3A_94 : memref<1x128x32xbf16, #tpu.memory_space<vmem>> -> memref<128x32xbf16, #tpu.memory_space<vmem>>
    %dma_wait3A_96 = arith.constant 0 : i32
    %dma_wait3A_97 = tpu.memref_slice %arg8[%dma_wait3A_91, %dma_wait3A_96] : memref<40x128xi32, #tpu.memory_space<vmem>> -> memref<1x128xi32, #tpu.memory_space<vmem>>
    %dma_wait3A_98 = tpu.memref_squeeze %dma_wait3A_97 : memref<1x128xi32, #tpu.memory_space<vmem>> -> memref<128xi32, #tpu.memory_space<vmem>>
    %dma_wait3A_99 = arith.constant 0 : i32
    %dma_wait3A_100 = arith.constant 0 : i32
    %dma_wait3A_101 = tpu.memref_slice %arg10[%dma_wait3A_99, %dma_wait3A_100] : memref<10240x32xbf16, #tpu.memory_space<vmem_shared>> -> memref<10240x32xbf16, #tpu.memory_space<vmem_shared>>
    tpu.wait_indirect_dma semaphore(%arg12 : memref<!tpu.dma_semaphore, #tpu.memory_space<semaphore_mem>>) src(%dma_wait3A_95 : memref<128x32xbf16, #tpu.memory_space<vmem>>) dst(%dma_wait3A_101 : memref<10240x32xbf16, #tpu.memory_space<vmem_shared>>)
    %dma_wait3A_102 = arith.constant 0 : i32
    %dma_wait3A_103 = arith.constant 0 : i32
    %dma_wait3A_104 = arith.constant 0 : i32
    %dma_wait3A_105 = arith.constant 0 : i32
    %dma_wait3A_106 = tpu.memref_slice %arg9[%dma_wait3A_102, %dma_wait3A_104, %dma_wait3A_105] : memref<12x128x32xbf16, #tpu.memory_space<vmem>> -> memref<1x128x32xbf16, #tpu.memory_space<vmem>>
    %dma_wait3A_107 = tpu.memref_squeeze %dma_wait3A_106 : memref<1x128x32xbf16, #tpu.memory_space<vmem>> -> memref<128x32xbf16, #tpu.memory_space<vmem>>
    %dma_wait3A_108 = arith.constant 0 : i32
    %dma_wait3A_109 = tpu.memref_slice %arg8[%dma_wait3A_103, %dma_wait3A_108] : memref<40x128xi32, #tpu.memory_space<vmem>> -> memref<1x128xi32, #tpu.memory_space<vmem>>
    %dma_wait3A_110 = tpu.memref_squeeze %dma_wait3A_109 : memref<1x128xi32, #tpu.memory_space<vmem>> -> memref<128xi32, #tpu.memory_space<vmem>>
    %dma_wait3A_111 = arith.constant 0 : i32
    %dma_wait3A_112 = arith.constant 0 : i32
    %dma_wait3A_113 = tpu.memref_slice %arg10[%dma_wait3A_111, %dma_wait3A_112] : memref<10240x32xbf16, #tpu.memory_space<vmem_shared>> -> memref<10240x32xbf16, #tpu.memory_space<vmem_shared>>
    tpu.wait_indirect_dma semaphore(%arg12 : memref<!tpu.dma_semaphore, #tpu.memory_space<semaphore_mem>>) src(%dma_wait3A_107 : memref<128x32xbf16, #tpu.memory_space<vmem>>) dst(%dma_wait3A_113 : memref<10240x32xbf16, #tpu.memory_space<vmem_shared>>)
    %dma_wait3A_114 = arith.constant 0 : i32
    %dma_wait3A_115 = arith.constant 0 : i32
    %dma_wait3A_116 = arith.constant 0 : i32
    %dma_wait3A_117 = arith.constant 0 : i32
    %dma_wait3A_118 = tpu.memref_slice %arg9[%dma_wait3A_114, %dma_wait3A_116, %dma_wait3A_117] : memref<12x128x32xbf16, #tpu.memory_space<vmem>> -> memref<1x128x32xbf16, #tpu.memory_space<vmem>>
    %dma_wait3A_119 = tpu.memref_squeeze %dma_wait3A_118 : memref<1x128x32xbf16, #tpu.memory_space<vmem>> -> memref<128x32xbf16, #tpu.memory_space<vmem>>
    %dma_wait3A_120 = arith.constant 0 : i32
    %dma_wait3A_121 = tpu.memref_slice %arg8[%dma_wait3A_115, %dma_wait3A_120] : memref<40x128xi32, #tpu.memory_space<vmem>> -> memref<1x128xi32, #tpu.memory_space<vmem>>
    %dma_wait3A_122 = tpu.memref_squeeze %dma_wait3A_121 : memref<1x128xi32, #tpu.memory_space<vmem>> -> memref<128xi32, #tpu.memory_space<vmem>>
    %dma_wait3A_123 = arith.constant 0 : i32
    %dma_wait3A_124 = arith.constant 0 : i32
    %dma_wait3A_125 = tpu.memref_slice %arg10[%dma_wait3A_123, %dma_wait3A_124] : memref<10240x32xbf16, #tpu.memory_space<vmem_shared>> -> memref<10240x32xbf16, #tpu.memory_space<vmem_shared>>
    tpu.wait_indirect_dma semaphore(%arg12 : memref<!tpu.dma_semaphore, #tpu.memory_space<semaphore_mem>>) src(%dma_wait3A_119 : memref<128x32xbf16, #tpu.memory_space<vmem>>) dst(%dma_wait3A_125 : memref<10240x32xbf16, #tpu.memory_space<vmem_shared>>)
    %dma_wait3A_126 = arith.constant 0 : i32
    %dma_wait3A_127 = arith.constant 0 : i32
    %dma_wait3A_128 = arith.constant 0 : i32
    %dma_wait3A_129 = arith.constant 0 : i32
    %dma_wait3A_130 = tpu.memref_slice %arg9[%dma_wait3A_126, %dma_wait3A_128, %dma_wait3A_129] : memref<12x128x32xbf16, #tpu.memory_space<vmem>> -> memref<1x128x32xbf16, #tpu.memory_space<vmem>>
    %dma_wait3A_131 = tpu.memref_squeeze %dma_wait3A_130 : memref<1x128x32xbf16, #tpu.memory_space<vmem>> -> memref<128x32xbf16, #tpu.memory_space<vmem>>
    %dma_wait3A_132 = arith.constant 0 : i32
    %dma_wait3A_133 = tpu.memref_slice %arg8[%dma_wait3A_127, %dma_wait3A_132] : memref<40x128xi32, #tpu.memory_space<vmem>> -> memref<1x128xi32, #tpu.memory_space<vmem>>
    %dma_wait3A_134 = tpu.memref_squeeze %dma_wait3A_133 : memref<1x128xi32, #tpu.memory_space<vmem>> -> memref<128xi32, #tpu.memory_space<vmem>>
    %dma_wait3A_135 = arith.constant 0 : i32
    %dma_wait3A_136 = arith.constant 0 : i32
    %dma_wait3A_137 = tpu.memref_slice %arg10[%dma_wait3A_135, %dma_wait3A_136] : memref<10240x32xbf16, #tpu.memory_space<vmem_shared>> -> memref<10240x32xbf16, #tpu.memory_space<vmem_shared>>
    tpu.wait_indirect_dma semaphore(%arg12 : memref<!tpu.dma_semaphore, #tpu.memory_space<semaphore_mem>>) src(%dma_wait3A_131 : memref<128x32xbf16, #tpu.memory_space<vmem>>) dst(%dma_wait3A_137 : memref<10240x32xbf16, #tpu.memory_space<vmem_shared>>)
    %dma_wait3A_138 = arith.constant 0 : i32
    %dma_wait3A_139 = arith.constant 0 : i32
    %dma_wait3A_140 = arith.constant 0 : i32
    %dma_wait3A_141 = arith.constant 0 : i32
    %dma_wait3A_142 = tpu.memref_slice %arg9[%dma_wait3A_138, %dma_wait3A_140, %dma_wait3A_141] : memref<12x128x32xbf16, #tpu.memory_space<vmem>> -> memref<1x128x32xbf16, #tpu.memory_space<vmem>>
    %dma_wait3A_143 = tpu.memref_squeeze %dma_wait3A_142 : memref<1x128x32xbf16, #tpu.memory_space<vmem>> -> memref<128x32xbf16, #tpu.memory_space<vmem>>
    %dma_wait3A_144 = arith.constant 0 : i32
    %dma_wait3A_145 = tpu.memref_slice %arg8[%dma_wait3A_139, %dma_wait3A_144] : memref<40x128xi32, #tpu.memory_space<vmem>> -> memref<1x128xi32, #tpu.memory_space<vmem>>
    %dma_wait3A_146 = tpu.memref_squeeze %dma_wait3A_145 : memref<1x128xi32, #tpu.memory_space<vmem>> -> memref<128xi32, #tpu.memory_space<vmem>>
    %dma_wait3A_147 = arith.constant 0 : i32
    %dma_wait3A_148 = arith.constant 0 : i32
    %dma_wait3A_149 = tpu.memref_slice %arg10[%dma_wait3A_147, %dma_wait3A_148] : memref<10240x32xbf16, #tpu.memory_space<vmem_shared>> -> memref<10240x32xbf16, #tpu.memory_space<vmem_shared>>
    tpu.wait_indirect_dma semaphore(%arg12 : memref<!tpu.dma_semaphore, #tpu.memory_space<semaphore_mem>>) src(%dma_wait3A_143 : memref<128x32xbf16, #tpu.memory_space<vmem>>) dst(%dma_wait3A_149 : memref<10240x32xbf16, #tpu.memory_space<vmem_shared>>)
    %barrier3A_150 = arith.constant 0 : index
    tpu.barrier barrier_id(%barrier3A_150)
    %mul3A_151 = arith.constant 640 : i32
    %mul3A_152 = arith.muli %arg1, %mul3A_151 : i32
    "tpu.region"() ({
      %run_scoped3A = tpu.sem_alloc : memref<!tpu.dma_semaphore, #tpu.memory_space<semaphore_mem>>
      %dma_start3A_153 = arith.constant 0 : i32
      %dma_start3A_154 = tpu.memref_slice %arg6[%arg0, %mul3A_152, %dma_start3A_153] : memref<2x10240x32xbf16, #tpu.memory_space<hbm>> -> memref<1x640x32xbf16, #tpu.memory_space<hbm>>
      %dma_start3A_155 = tpu.memref_squeeze %dma_start3A_154 : memref<1x640x32xbf16, #tpu.memory_space<hbm>> -> memref<640x32xbf16, #tpu.memory_space<hbm>>
      %dma_start3A_156 = arith.constant 0 : i32
      %dma_start3A_157 = tpu.memref_slice %arg10[%mul3A_152, %dma_start3A_156] : memref<10240x32xbf16, #tpu.memory_space<vmem_shared>> -> memref<640x32xbf16, #tpu.memory_space<vmem_shared>>
      tpu.enqueue_dma source(%dma_start3A_157 : memref<640x32xbf16, #tpu.memory_space<vmem_shared>>) target(%dma_start3A_155 : memref<640x32xbf16, #tpu.memory_space<hbm>>) target_semaphore(%run_scoped3A : memref<!tpu.dma_semaphore, #tpu.memory_space<semaphore_mem>>)
      %dma_wait3A_158 = arith.constant 0 : i32
      %dma_wait3A_159 = tpu.memref_slice %arg6[%arg0, %mul3A_152, %dma_wait3A_158] : memref<2x10240x32xbf16, #tpu.memory_space<hbm>> -> memref<1x640x32xbf16, #tpu.memory_space<hbm>>
      %dma_wait3A_160 = tpu.memref_squeeze %dma_wait3A_159 : memref<1x640x32xbf16, #tpu.memory_space<hbm>> -> memref<640x32xbf16, #tpu.memory_space<hbm>>
      %dma_wait3A_161 = arith.constant 0 : i32
      %dma_wait3A_162 = tpu.memref_slice %arg10[%mul3A_152, %dma_wait3A_161] : memref<10240x32xbf16, #tpu.memory_space<vmem_shared>> -> memref<640x32xbf16, #tpu.memory_space<vmem_shared>>
      tpu.wait_dma2 semaphore(%run_scoped3A : memref<!tpu.dma_semaphore, #tpu.memory_space<semaphore_mem>>) src(%dma_wait3A_162 : memref<640x32xbf16, #tpu.memory_space<vmem_shared>>) dst(%dma_wait3A_160 : memref<640x32xbf16, #tpu.memory_space<hbm>>)
      tpu.yield
    }) : () -> ()
    return
  }
}

#map = affine_map<(d0, d1) -> (0, 0)>
#map1 = affine_map<(d0, d1) -> (0, 0, 0)>
module attributes {stable_mosaic.version = 14 : i64} {
  func.func @seg(%arg0: i32, %arg1: i32, %arg2: memref<10240x64xbf16, #tpu.memory_space<hbm>>, %arg3: memref<32x40x128xi32, #tpu.memory_space<hbm>>, %arg4: memref<32x40x128xi32, #tpu.memory_space<hbm>>, %arg5: memref<640x64xbf16, #tpu.memory_space<hbm>>, %arg6: memref<2x10240x64xbf16, #tpu.memory_space<hbm>>, %arg7: memref<40x128xi32, #tpu.memory_space<vmem>>, %arg8: memref<40x128xi32, #tpu.memory_space<vmem>>, %arg9: memref<12x128x64xbf16, #tpu.memory_space<vmem>>, %arg10: memref<10240x64xbf16, #tpu.memory_space<vmem_shared>>, %arg11: memref<!tpu.dma_semaphore, #tpu.memory_space<semaphore_mem>>, %arg12: memref<!tpu.dma_semaphore, #tpu.memory_space<semaphore_mem>>) attributes {dimension_semantics = [#tpu.dimension_semantics<core_parallel>, #tpu.dimension_semantics<subcore_parallel>], iteration_bounds = array<i64: 2, 16>, scalar_prefetch = 0 : i64, scratch_operands = 6 : i64, tpu.core_type = #tpu.core_type<sc_vector_subcore>, window_params = [{transform_indices = #map}, {transform_indices = #map1}, {transform_indices = #map1}, {transform_indices = #map}, {transform_indices = #map1}]} {
    %mul3A = arith.constant 2 : i32
    %mul3A_0 = arith.muli %arg1, %mul3A : i32
    %add3A = arith.addi %mul3A_0, %arg0 : i32
    %mul3A_1 = arith.constant 640 : i32
    %mul3A_2 = arith.muli %arg1, %mul3A_1 : i32
    "tpu.region"() ({
      %run_scoped3A = tpu.sem_alloc : memref<!tpu.dma_semaphore, #tpu.memory_space<semaphore_mem>>
      %dma_start3A_153 = arith.constant 0 : i32
      %dma_start3A_154 = tpu.memref_slice %arg10[%mul3A_2, %dma_start3A_153] : memref<10240x64xbf16, #tpu.memory_space<vmem_shared>> -> memref<640x64xbf16, #tpu.memory_space<vmem_shared>>
      tpu.enqueue_dma source(%arg5 : memref<640x64xbf16, #tpu.memory_space<hbm>>) target(%dma_start3A_154 : memref<640x64xbf16, #tpu.memory_space<vmem_shared>>) target_semaphore(%run_scoped3A : memref<!tpu.dma_semaphore, #tpu.memory_space<semaphore_mem>>)
      %dma_wait3A_155 = arith.constant 0 : i32
      %dma_wait3A_156 = tpu.memref_slice %arg10[%mul3A_2, %dma_wait3A_155] : memref<10240x64xbf16, #tpu.memory_space<vmem_shared>> -> memref<640x64xbf16, #tpu.memory_space<vmem_shared>>
      tpu.wait_dma2 semaphore(%run_scoped3A : memref<!tpu.dma_semaphore, #tpu.memory_space<semaphore_mem>>) src(%arg5 : memref<640x64xbf16, #tpu.memory_space<hbm>>) dst(%dma_wait3A_156 : memref<640x64xbf16, #tpu.memory_space<vmem_shared>>)
      tpu.yield
    }) : () -> ()
    "tpu.region"() ({
      %run_scoped3A = tpu.sem_alloc : memref<!tpu.dma_semaphore, #tpu.memory_space<semaphore_mem>>
      %dma_start3A_153 = arith.constant 0 : i32
      %dma_start3A_154 = arith.constant 0 : i32
      %dma_start3A_155 = tpu.memref_slice %arg3[%add3A, %dma_start3A_153, %dma_start3A_154] : memref<32x40x128xi32, #tpu.memory_space<hbm>> -> memref<1x40x128xi32, #tpu.memory_space<hbm>>
      %dma_start3A_156 = tpu.memref_squeeze %dma_start3A_155 : memref<1x40x128xi32, #tpu.memory_space<hbm>> -> memref<40x128xi32, #tpu.memory_space<hbm>>
      %dma_start3A_157 = arith.constant 0 : i32
      %dma_start3A_158 = arith.constant 0 : i32
      %dma_start3A_159 = tpu.memref_slice %arg3[%add3A, %dma_start3A_157, %dma_start3A_158] : memref<32x40x128xi32, #tpu.memory_space<hbm>> -> memref<1x40x128xi32, #tpu.memory_space<hbm>>
      %dma_start3A_160 = tpu.memref_squeeze %dma_start3A_159 : memref<1x40x128xi32, #tpu.memory_space<hbm>> -> memref<40x128xi32, #tpu.memory_space<hbm>>
      tpu.enqueue_dma source(%dma_start3A_160 : memref<40x128xi32, #tpu.memory_space<hbm>>) target(%arg7 : memref<40x128xi32, #tpu.memory_space<vmem>>) target_semaphore(%run_scoped3A : memref<!tpu.dma_semaphore, #tpu.memory_space<semaphore_mem>>)
      %dma_wait3A_161 = arith.constant 0 : i32
      %dma_wait3A_162 = arith.constant 0 : i32
      %dma_wait3A_163 = tpu.memref_slice %arg3[%add3A, %dma_wait3A_161, %dma_wait3A_162] : memref<32x40x128xi32, #tpu.memory_space<hbm>> -> memref<1x40x128xi32, #tpu.memory_space<hbm>>
      %dma_wait3A_164 = tpu.memref_squeeze %dma_wait3A_163 : memref<1x40x128xi32, #tpu.memory_space<hbm>> -> memref<40x128xi32, #tpu.memory_space<hbm>>
      %dma_wait3A_165 = arith.constant 0 : i32
      %dma_wait3A_166 = arith.constant 0 : i32
      %dma_wait3A_167 = tpu.memref_slice %arg3[%add3A, %dma_wait3A_165, %dma_wait3A_166] : memref<32x40x128xi32, #tpu.memory_space<hbm>> -> memref<1x40x128xi32, #tpu.memory_space<hbm>>
      %dma_wait3A_168 = tpu.memref_squeeze %dma_wait3A_167 : memref<1x40x128xi32, #tpu.memory_space<hbm>> -> memref<40x128xi32, #tpu.memory_space<hbm>>
      tpu.wait_dma2 semaphore(%run_scoped3A : memref<!tpu.dma_semaphore, #tpu.memory_space<semaphore_mem>>) src(%dma_wait3A_168 : memref<40x128xi32, #tpu.memory_space<hbm>>) dst(%arg7 : memref<40x128xi32, #tpu.memory_space<vmem>>)
      tpu.yield
    }) : () -> ()
    "tpu.region"() ({
      %run_scoped3A = tpu.sem_alloc : memref<!tpu.dma_semaphore, #tpu.memory_space<semaphore_mem>>
      %dma_start3A_153 = arith.constant 0 : i32
      %dma_start3A_154 = arith.constant 0 : i32
      %dma_start3A_155 = tpu.memref_slice %arg4[%add3A, %dma_start3A_153, %dma_start3A_154] : memref<32x40x128xi32, #tpu.memory_space<hbm>> -> memref<1x40x128xi32, #tpu.memory_space<hbm>>
      %dma_start3A_156 = tpu.memref_squeeze %dma_start3A_155 : memref<1x40x128xi32, #tpu.memory_space<hbm>> -> memref<40x128xi32, #tpu.memory_space<hbm>>
      %dma_start3A_157 = arith.constant 0 : i32
      %dma_start3A_158 = arith.constant 0 : i32
      %dma_start3A_159 = tpu.memref_slice %arg4[%add3A, %dma_start3A_157, %dma_start3A_158] : memref<32x40x128xi32, #tpu.memory_space<hbm>> -> memref<1x40x128xi32, #tpu.memory_space<hbm>>
      %dma_start3A_160 = tpu.memref_squeeze %dma_start3A_159 : memref<1x40x128xi32, #tpu.memory_space<hbm>> -> memref<40x128xi32, #tpu.memory_space<hbm>>
      tpu.enqueue_dma source(%dma_start3A_160 : memref<40x128xi32, #tpu.memory_space<hbm>>) target(%arg8 : memref<40x128xi32, #tpu.memory_space<vmem>>) target_semaphore(%run_scoped3A : memref<!tpu.dma_semaphore, #tpu.memory_space<semaphore_mem>>)
      %dma_wait3A_161 = arith.constant 0 : i32
      %dma_wait3A_162 = arith.constant 0 : i32
      %dma_wait3A_163 = tpu.memref_slice %arg4[%add3A, %dma_wait3A_161, %dma_wait3A_162] : memref<32x40x128xi32, #tpu.memory_space<hbm>> -> memref<1x40x128xi32, #tpu.memory_space<hbm>>
      %dma_wait3A_164 = tpu.memref_squeeze %dma_wait3A_163 : memref<1x40x128xi32, #tpu.memory_space<hbm>> -> memref<40x128xi32, #tpu.memory_space<hbm>>
      %dma_wait3A_165 = arith.constant 0 : i32
      %dma_wait3A_166 = arith.constant 0 : i32
      %dma_wait3A_167 = tpu.memref_slice %arg4[%add3A, %dma_wait3A_165, %dma_wait3A_166] : memref<32x40x128xi32, #tpu.memory_space<hbm>> -> memref<1x40x128xi32, #tpu.memory_space<hbm>>
      %dma_wait3A_168 = tpu.memref_squeeze %dma_wait3A_167 : memref<1x40x128xi32, #tpu.memory_space<hbm>> -> memref<40x128xi32, #tpu.memory_space<hbm>>
      tpu.wait_dma2 semaphore(%run_scoped3A : memref<!tpu.dma_semaphore, #tpu.memory_space<semaphore_mem>>) src(%dma_wait3A_168 : memref<40x128xi32, #tpu.memory_space<hbm>>) dst(%arg8 : memref<40x128xi32, #tpu.memory_space<vmem>>)
      tpu.yield
    }) : () -> ()
    %barrier3A = arith.constant 0 : index
    tpu.barrier barrier_id(%barrier3A)
    %dma_start3A = arith.constant 0 : i32
    %dma_start3A_3 = arith.constant 0 : i32
    %dma_start3A_4 = arith.constant 0 : i32
    %dma_start3A_5 = arith.constant 0 : i32
    %dma_start3A_6 = tpu.memref_slice %arg9[%dma_start3A_3, %dma_start3A_4, %dma_start3A_5] : memref<12x128x64xbf16, #tpu.memory_space<vmem>> -> memref<1x128x64xbf16, #tpu.memory_space<vmem>>
    %dma_start3A_7 = tpu.memref_squeeze %dma_start3A_6 : memref<1x128x64xbf16, #tpu.memory_space<vmem>> -> memref<128x64xbf16, #tpu.memory_space<vmem>>
    %dma_start3A_8 = arith.constant 0 : i32
    %dma_start3A_9 = tpu.memref_slice %arg7[%dma_start3A, %dma_start3A_8] : memref<40x128xi32, #tpu.memory_space<vmem>> -> memref<1x128xi32, #tpu.memory_space<vmem>>
    %dma_start3A_10 = tpu.memref_squeeze %dma_start3A_9 : memref<1x128xi32, #tpu.memory_space<vmem>> -> memref<128xi32, #tpu.memory_space<vmem>>
    %dma_start3A_11 = arith.constant 0 : i32
    %dma_start3A_12 = arith.constant 0 : i32
    %dma_start3A_13 = tpu.memref_slice %arg2[%dma_start3A_11, %dma_start3A_12] : memref<10240x64xbf16, #tpu.memory_space<hbm>> -> memref<10240x64xbf16, #tpu.memory_space<hbm>>
    tpu.enqueue_indirect_dma source(%dma_start3A_13 : memref<10240x64xbf16, #tpu.memory_space<hbm>>) target(%dma_start3A_7 : memref<128x64xbf16, #tpu.memory_space<vmem>>) offsets(%dma_start3A_10 : memref<128xi32, #tpu.memory_space<vmem>>) semaphore(%arg11 : memref<!tpu.dma_semaphore, #tpu.memory_space<semaphore_mem>>)
    %dma_start3A_14 = arith.constant 1 : i32
    %dma_start3A_15 = arith.constant 1 : i32
    %dma_start3A_16 = arith.constant 0 : i32
    %dma_start3A_17 = arith.constant 0 : i32
    %dma_start3A_18 = tpu.memref_slice %arg9[%dma_start3A_15, %dma_start3A_16, %dma_start3A_17] : memref<12x128x64xbf16, #tpu.memory_space<vmem>> -> memref<1x128x64xbf16, #tpu.memory_space<vmem>>
    %dma_start3A_19 = tpu.memref_squeeze %dma_start3A_18 : memref<1x128x64xbf16, #tpu.memory_space<vmem>> -> memref<128x64xbf16, #tpu.memory_space<vmem>>
    %dma_start3A_20 = arith.constant 0 : i32
    %dma_start3A_21 = tpu.memref_slice %arg7[%dma_start3A_14, %dma_start3A_20] : memref<40x128xi32, #tpu.memory_space<vmem>> -> memref<1x128xi32, #tpu.memory_space<vmem>>
    %dma_start3A_22 = tpu.memref_squeeze %dma_start3A_21 : memref<1x128xi32, #tpu.memory_space<vmem>> -> memref<128xi32, #tpu.memory_space<vmem>>
    %dma_start3A_23 = arith.constant 0 : i32
    %dma_start3A_24 = arith.constant 0 : i32
    %dma_start3A_25 = tpu.memref_slice %arg2[%dma_start3A_23, %dma_start3A_24] : memref<10240x64xbf16, #tpu.memory_space<hbm>> -> memref<10240x64xbf16, #tpu.memory_space<hbm>>
    tpu.enqueue_indirect_dma source(%dma_start3A_25 : memref<10240x64xbf16, #tpu.memory_space<hbm>>) target(%dma_start3A_19 : memref<128x64xbf16, #tpu.memory_space<vmem>>) offsets(%dma_start3A_22 : memref<128xi32, #tpu.memory_space<vmem>>) semaphore(%arg11 : memref<!tpu.dma_semaphore, #tpu.memory_space<semaphore_mem>>)
    %dma_start3A_26 = arith.constant 2 : i32
    %dma_start3A_27 = arith.constant 2 : i32
    %dma_start3A_28 = arith.constant 0 : i32
    %dma_start3A_29 = arith.constant 0 : i32
    %dma_start3A_30 = tpu.memref_slice %arg9[%dma_start3A_27, %dma_start3A_28, %dma_start3A_29] : memref<12x128x64xbf16, #tpu.memory_space<vmem>> -> memref<1x128x64xbf16, #tpu.memory_space<vmem>>
    %dma_start3A_31 = tpu.memref_squeeze %dma_start3A_30 : memref<1x128x64xbf16, #tpu.memory_space<vmem>> -> memref<128x64xbf16, #tpu.memory_space<vmem>>
    %dma_start3A_32 = arith.constant 0 : i32
    %dma_start3A_33 = tpu.memref_slice %arg7[%dma_start3A_26, %dma_start3A_32] : memref<40x128xi32, #tpu.memory_space<vmem>> -> memref<1x128xi32, #tpu.memory_space<vmem>>
    %dma_start3A_34 = tpu.memref_squeeze %dma_start3A_33 : memref<1x128xi32, #tpu.memory_space<vmem>> -> memref<128xi32, #tpu.memory_space<vmem>>
    %dma_start3A_35 = arith.constant 0 : i32
    %dma_start3A_36 = arith.constant 0 : i32
    %dma_start3A_37 = tpu.memref_slice %arg2[%dma_start3A_35, %dma_start3A_36] : memref<10240x64xbf16, #tpu.memory_space<hbm>> -> memref<10240x64xbf16, #tpu.memory_space<hbm>>
    tpu.enqueue_indirect_dma source(%dma_start3A_37 : memref<10240x64xbf16, #tpu.memory_space<hbm>>) target(%dma_start3A_31 : memref<128x64xbf16, #tpu.memory_space<vmem>>) offsets(%dma_start3A_34 : memref<128xi32, #tpu.memory_space<vmem>>) semaphore(%arg11 : memref<!tpu.dma_semaphore, #tpu.memory_space<semaphore_mem>>)
    %dma_start3A_38 = arith.constant 3 : i32
    %dma_start3A_39 = arith.constant 3 : i32
    %dma_start3A_40 = arith.constant 0 : i32
    %dma_start3A_41 = arith.constant 0 : i32
    %dma_start3A_42 = tpu.memref_slice %arg9[%dma_start3A_39, %dma_start3A_40, %dma_start3A_41] : memref<12x128x64xbf16, #tpu.memory_space<vmem>> -> memref<1x128x64xbf16, #tpu.memory_space<vmem>>
    %dma_start3A_43 = tpu.memref_squeeze %dma_start3A_42 : memref<1x128x64xbf16, #tpu.memory_space<vmem>> -> memref<128x64xbf16, #tpu.memory_space<vmem>>
    %dma_start3A_44 = arith.constant 0 : i32
    %dma_start3A_45 = tpu.memref_slice %arg7[%dma_start3A_38, %dma_start3A_44] : memref<40x128xi32, #tpu.memory_space<vmem>> -> memref<1x128xi32, #tpu.memory_space<vmem>>
    %dma_start3A_46 = tpu.memref_squeeze %dma_start3A_45 : memref<1x128xi32, #tpu.memory_space<vmem>> -> memref<128xi32, #tpu.memory_space<vmem>>
    %dma_start3A_47 = arith.constant 0 : i32
    %dma_start3A_48 = arith.constant 0 : i32
    %dma_start3A_49 = tpu.memref_slice %arg2[%dma_start3A_47, %dma_start3A_48] : memref<10240x64xbf16, #tpu.memory_space<hbm>> -> memref<10240x64xbf16, #tpu.memory_space<hbm>>
    tpu.enqueue_indirect_dma source(%dma_start3A_49 : memref<10240x64xbf16, #tpu.memory_space<hbm>>) target(%dma_start3A_43 : memref<128x64xbf16, #tpu.memory_space<vmem>>) offsets(%dma_start3A_46 : memref<128xi32, #tpu.memory_space<vmem>>) semaphore(%arg11 : memref<!tpu.dma_semaphore, #tpu.memory_space<semaphore_mem>>)
    %dma_start3A_50 = arith.constant 4 : i32
    %dma_start3A_51 = arith.constant 4 : i32
    %dma_start3A_52 = arith.constant 0 : i32
    %dma_start3A_53 = arith.constant 0 : i32
    %dma_start3A_54 = tpu.memref_slice %arg9[%dma_start3A_51, %dma_start3A_52, %dma_start3A_53] : memref<12x128x64xbf16, #tpu.memory_space<vmem>> -> memref<1x128x64xbf16, #tpu.memory_space<vmem>>
    %dma_start3A_55 = tpu.memref_squeeze %dma_start3A_54 : memref<1x128x64xbf16, #tpu.memory_space<vmem>> -> memref<128x64xbf16, #tpu.memory_space<vmem>>
    %dma_start3A_56 = arith.constant 0 : i32
    %dma_start3A_57 = tpu.memref_slice %arg7[%dma_start3A_50, %dma_start3A_56] : memref<40x128xi32, #tpu.memory_space<vmem>> -> memref<1x128xi32, #tpu.memory_space<vmem>>
    %dma_start3A_58 = tpu.memref_squeeze %dma_start3A_57 : memref<1x128xi32, #tpu.memory_space<vmem>> -> memref<128xi32, #tpu.memory_space<vmem>>
    %dma_start3A_59 = arith.constant 0 : i32
    %dma_start3A_60 = arith.constant 0 : i32
    %dma_start3A_61 = tpu.memref_slice %arg2[%dma_start3A_59, %dma_start3A_60] : memref<10240x64xbf16, #tpu.memory_space<hbm>> -> memref<10240x64xbf16, #tpu.memory_space<hbm>>
    tpu.enqueue_indirect_dma source(%dma_start3A_61 : memref<10240x64xbf16, #tpu.memory_space<hbm>>) target(%dma_start3A_55 : memref<128x64xbf16, #tpu.memory_space<vmem>>) offsets(%dma_start3A_58 : memref<128xi32, #tpu.memory_space<vmem>>) semaphore(%arg11 : memref<!tpu.dma_semaphore, #tpu.memory_space<semaphore_mem>>)
    %dma_start3A_62 = arith.constant 5 : i32
    %dma_start3A_63 = arith.constant 5 : i32
    %dma_start3A_64 = arith.constant 0 : i32
    %dma_start3A_65 = arith.constant 0 : i32
    %dma_start3A_66 = tpu.memref_slice %arg9[%dma_start3A_63, %dma_start3A_64, %dma_start3A_65] : memref<12x128x64xbf16, #tpu.memory_space<vmem>> -> memref<1x128x64xbf16, #tpu.memory_space<vmem>>
    %dma_start3A_67 = tpu.memref_squeeze %dma_start3A_66 : memref<1x128x64xbf16, #tpu.memory_space<vmem>> -> memref<128x64xbf16, #tpu.memory_space<vmem>>
    %dma_start3A_68 = arith.constant 0 : i32
    %dma_start3A_69 = tpu.memref_slice %arg7[%dma_start3A_62, %dma_start3A_68] : memref<40x128xi32, #tpu.memory_space<vmem>> -> memref<1x128xi32, #tpu.memory_space<vmem>>
    %dma_start3A_70 = tpu.memref_squeeze %dma_start3A_69 : memref<1x128xi32, #tpu.memory_space<vmem>> -> memref<128xi32, #tpu.memory_space<vmem>>
    %dma_start3A_71 = arith.constant 0 : i32
    %dma_start3A_72 = arith.constant 0 : i32
    %dma_start3A_73 = tpu.memref_slice %arg2[%dma_start3A_71, %dma_start3A_72] : memref<10240x64xbf16, #tpu.memory_space<hbm>> -> memref<10240x64xbf16, #tpu.memory_space<hbm>>
    tpu.enqueue_indirect_dma source(%dma_start3A_73 : memref<10240x64xbf16, #tpu.memory_space<hbm>>) target(%dma_start3A_67 : memref<128x64xbf16, #tpu.memory_space<vmem>>) offsets(%dma_start3A_70 : memref<128xi32, #tpu.memory_space<vmem>>) semaphore(%arg11 : memref<!tpu.dma_semaphore, #tpu.memory_space<semaphore_mem>>)
    %scan3A = arith.constant 0 : i32
    %scan3A_74 = arith.constant 0 : i32
    %scan3A_75 = arith.constant 40 : i32
    %scan3A_76 = arith.addi %scan3A_74, %scan3A_75 : i32
    %scan3A_77 = arith.constant 1 : i32
    scf.for %scan3A_153 = %scan3A_74 to %scan3A_76 step %scan3A_77  : i32 {
      %jit3A = arith.constant 12 : i32
      %eq3A = arith.constant 0 : i32
      %eq3A_154 = arith.cmpi eq, %jit3A, %eq3A : i32
      %jit3A_155 = arith.constant 1 : i32
      %select_n3A = arith.select %eq3A_154, %jit3A_155, %jit3A : i32
      %rem3A = arith.remsi %scan3A_153, %select_n3A : i32
      %ne3A = arith.constant 0 : i32
      %ne3A_156 = arith.cmpi ne, %rem3A, %ne3A : i32
      %lt3A = arith.constant 0 : i32
      %lt3A_157 = arith.cmpi slt, %rem3A, %lt3A : i32
      %lt3A_158 = arith.constant 0 : i32
      %lt3A_159 = arith.cmpi slt, %select_n3A, %lt3A_158 : i32
      %ne3A_160 = arith.xori %lt3A_157, %lt3A_159 : i1
      %and3A = arith.andi %ne3A_160, %ne3A_156 : i1
      %add3A_161 = arith.addi %rem3A, %select_n3A : i32
      %select_n3A_162 = arith.select %and3A, %add3A_161, %rem3A : i32
      %dma_wait3A_163 = arith.constant 0 : i32
      %dma_wait3A_164 = arith.constant 0 : i32
      %dma_wait3A_165 = tpu.memref_slice %arg9[%select_n3A_162, %dma_wait3A_163, %dma_wait3A_164] : memref<12x128x64xbf16, #tpu.memory_space<vmem>> -> memref<1x128x64xbf16, #tpu.memory_space<vmem>>
      %dma_wait3A_166 = tpu.memref_squeeze %dma_wait3A_165 : memref<1x128x64xbf16, #tpu.memory_space<vmem>> -> memref<128x64xbf16, #tpu.memory_space<vmem>>
      %dma_wait3A_167 = arith.constant 0 : i32
      %dma_wait3A_168 = tpu.memref_slice %arg7[%scan3A_153, %dma_wait3A_167] : memref<40x128xi32, #tpu.memory_space<vmem>> -> memref<1x128xi32, #tpu.memory_space<vmem>>
      %dma_wait3A_169 = tpu.memref_squeeze %dma_wait3A_168 : memref<1x128xi32, #tpu.memory_space<vmem>> -> memref<128xi32, #tpu.memory_space<vmem>>
      %dma_wait3A_170 = arith.constant 0 : i32
      %dma_wait3A_171 = arith.constant 0 : i32
      %dma_wait3A_172 = tpu.memref_slice %arg2[%dma_wait3A_170, %dma_wait3A_171] : memref<10240x64xbf16, #tpu.memory_space<hbm>> -> memref<10240x64xbf16, #tpu.memory_space<hbm>>
      tpu.wait_indirect_dma semaphore(%arg11 : memref<!tpu.dma_semaphore, #tpu.memory_space<semaphore_mem>>) src(%dma_wait3A_172 : memref<10240x64xbf16, #tpu.memory_space<hbm>>) dst(%dma_wait3A_166 : memref<128x64xbf16, #tpu.memory_space<vmem>>)
      %dma_start3A_173 = arith.constant 0 : i32
      %dma_start3A_174 = arith.constant 0 : i32
      %dma_start3A_175 = tpu.memref_slice %arg9[%select_n3A_162, %dma_start3A_173, %dma_start3A_174] : memref<12x128x64xbf16, #tpu.memory_space<vmem>> -> memref<1x128x64xbf16, #tpu.memory_space<vmem>>
      %dma_start3A_176 = tpu.memref_squeeze %dma_start3A_175 : memref<1x128x64xbf16, #tpu.memory_space<vmem>> -> memref<128x64xbf16, #tpu.memory_space<vmem>>
      %dma_start3A_177 = arith.constant 0 : i32
      %dma_start3A_178 = tpu.memref_slice %arg8[%scan3A_153, %dma_start3A_177] : memref<40x128xi32, #tpu.memory_space<vmem>> -> memref<1x128xi32, #tpu.memory_space<vmem>>
      %dma_start3A_179 = tpu.memref_squeeze %dma_start3A_178 : memref<1x128xi32, #tpu.memory_space<vmem>> -> memref<128xi32, #tpu.memory_space<vmem>>
      %dma_start3A_180 = arith.constant 0 : i32
      %dma_start3A_181 = arith.constant 0 : i32
      %dma_start3A_182 = tpu.memref_slice %arg10[%dma_start3A_180, %dma_start3A_181] : memref<10240x64xbf16, #tpu.memory_space<vmem_shared>> -> memref<10240x64xbf16, #tpu.memory_space<vmem_shared>>
      tpu.enqueue_indirect_dma source(%dma_start3A_176 : memref<128x64xbf16, #tpu.memory_space<vmem>>) target(%dma_start3A_182 : memref<10240x64xbf16, #tpu.memory_space<vmem_shared>>) offsets(%dma_start3A_179 : memref<128xi32, #tpu.memory_space<vmem>>) semaphore(%arg12 : memref<!tpu.dma_semaphore, #tpu.memory_space<semaphore_mem>>) {add = true}
      %ge3A = arith.constant 6 : i32
      %ge3A_183 = arith.cmpi sge, %scan3A_153, %ge3A : i32
      %convert_element_type3A = arith.extui %ge3A_183 : i1 to i32
      %cond3A = arith.constant 0 : i32
      %cond3A_184 = arith.cmpi ne, %convert_element_type3A, %cond3A : i32
      scf.if %cond3A_184 {
        %dma_wait3A_192 = arith.constant 0 : i32
        %dma_wait3A_193 = arith.constant 0 : i32
        %dma_wait3A_194 = arith.constant 0 : i32
        %dma_wait3A_195 = arith.constant 0 : i32
        %dma_wait3A_196 = tpu.memref_slice %arg9[%dma_wait3A_192, %dma_wait3A_194, %dma_wait3A_195] : memref<12x128x64xbf16, #tpu.memory_space<vmem>> -> memref<1x128x64xbf16, #tpu.memory_space<vmem>>
        %dma_wait3A_197 = tpu.memref_squeeze %dma_wait3A_196 : memref<1x128x64xbf16, #tpu.memory_space<vmem>> -> memref<128x64xbf16, #tpu.memory_space<vmem>>
        %dma_wait3A_198 = arith.constant 0 : i32
        %dma_wait3A_199 = tpu.memref_slice %arg8[%dma_wait3A_193, %dma_wait3A_198] : memref<40x128xi32, #tpu.memory_space<vmem>> -> memref<1x128xi32, #tpu.memory_space<vmem>>
        %dma_wait3A_200 = tpu.memref_squeeze %dma_wait3A_199 : memref<1x128xi32, #tpu.memory_space<vmem>> -> memref<128xi32, #tpu.memory_space<vmem>>
        %dma_wait3A_201 = arith.constant 0 : i32
        %dma_wait3A_202 = arith.constant 0 : i32
        %dma_wait3A_203 = tpu.memref_slice %arg10[%dma_wait3A_201, %dma_wait3A_202] : memref<10240x64xbf16, #tpu.memory_space<vmem_shared>> -> memref<10240x64xbf16, #tpu.memory_space<vmem_shared>>
        tpu.wait_indirect_dma semaphore(%arg12 : memref<!tpu.dma_semaphore, #tpu.memory_space<semaphore_mem>>) src(%dma_wait3A_197 : memref<128x64xbf16, #tpu.memory_space<vmem>>) dst(%dma_wait3A_203 : memref<10240x64xbf16, #tpu.memory_space<vmem_shared>>)
      } else {
      }
      %add3A_185 = arith.constant 6 : i32
      %add3A_186 = arith.addi %scan3A_153, %add3A_185 : i32
      %lt3A_187 = arith.constant 40 : i32
      %lt3A_188 = arith.cmpi slt, %add3A_186, %lt3A_187 : i32
      %convert_element_type3A_189 = arith.extui %lt3A_188 : i1 to i32
      %cond3A_190 = arith.constant 0 : i32
      %cond3A_191 = arith.cmpi ne, %convert_element_type3A_189, %cond3A_190 : i32
      scf.if %cond3A_191 {
        %add3A_192 = arith.constant 6 : i32
        %add3A_193 = arith.addi %scan3A_153, %add3A_192 : i32
        %add3A_194 = arith.constant 6 : i32
        %add3A_195 = arith.addi %scan3A_153, %add3A_194 : i32
        %jit3A_196 = arith.constant 12 : i32
        %eq3A_197 = arith.constant 0 : i32
        %eq3A_198 = arith.cmpi eq, %jit3A_196, %eq3A_197 : i32
        %jit3A_199 = arith.constant 1 : i32
        %select_n3A_200 = arith.select %eq3A_198, %jit3A_199, %jit3A_196 : i32
        %rem3A_201 = arith.remsi %add3A_195, %select_n3A_200 : i32
        %ne3A_202 = arith.constant 0 : i32
        %ne3A_203 = arith.cmpi ne, %rem3A_201, %ne3A_202 : i32
        %lt3A_204 = arith.constant 0 : i32
        %lt3A_205 = arith.cmpi slt, %rem3A_201, %lt3A_204 : i32
        %lt3A_206 = arith.constant 0 : i32
        %lt3A_207 = arith.cmpi slt, %select_n3A_200, %lt3A_206 : i32
        %ne3A_208 = arith.xori %lt3A_205, %lt3A_207 : i1
        %and3A_209 = arith.andi %ne3A_208, %ne3A_203 : i1
        %add3A_210 = arith.addi %rem3A_201, %select_n3A_200 : i32
        %select_n3A_211 = arith.select %and3A_209, %add3A_210, %rem3A_201 : i32
        %dma_start3A_212 = arith.constant 0 : i32
        %dma_start3A_213 = arith.constant 0 : i32
        %dma_start3A_214 = tpu.memref_slice %arg9[%select_n3A_211, %dma_start3A_212, %dma_start3A_213] : memref<12x128x64xbf16, #tpu.memory_space<vmem>> -> memref<1x128x64xbf16, #tpu.memory_space<vmem>>
        %dma_start3A_215 = tpu.memref_squeeze %dma_start3A_214 : memref<1x128x64xbf16, #tpu.memory_space<vmem>> -> memref<128x64xbf16, #tpu.memory_space<vmem>>
        %dma_start3A_216 = arith.constant 0 : i32
        %dma_start3A_217 = tpu.memref_slice %arg7[%add3A_193, %dma_start3A_216] : memref<40x128xi32, #tpu.memory_space<vmem>> -> memref<1x128xi32, #tpu.memory_space<vmem>>
        %dma_start3A_218 = tpu.memref_squeeze %dma_start3A_217 : memref<1x128xi32, #tpu.memory_space<vmem>> -> memref<128xi32, #tpu.memory_space<vmem>>
        %dma_start3A_219 = arith.constant 0 : i32
        %dma_start3A_220 = arith.constant 0 : i32
        %dma_start3A_221 = tpu.memref_slice %arg2[%dma_start3A_219, %dma_start3A_220] : memref<10240x64xbf16, #tpu.memory_space<hbm>> -> memref<10240x64xbf16, #tpu.memory_space<hbm>>
        tpu.enqueue_indirect_dma source(%dma_start3A_221 : memref<10240x64xbf16, #tpu.memory_space<hbm>>) target(%dma_start3A_215 : memref<128x64xbf16, #tpu.memory_space<vmem>>) offsets(%dma_start3A_218 : memref<128xi32, #tpu.memory_space<vmem>>) semaphore(%arg11 : memref<!tpu.dma_semaphore, #tpu.memory_space<semaphore_mem>>)
      } else {
      }
    }
    %scan3A_78 = arith.constant 40 : i32
    %dma_wait3A = arith.constant 0 : i32
    %dma_wait3A_79 = arith.constant 0 : i32
    %dma_wait3A_80 = arith.constant 0 : i32
    %dma_wait3A_81 = arith.constant 0 : i32
    %dma_wait3A_82 = tpu.memref_slice %arg9[%dma_wait3A, %dma_wait3A_80, %dma_wait3A_81] : memref<12x128x64xbf16, #tpu.memory_space<vmem>> -> memref<1x128x64xbf16, #tpu.memory_space<vmem>>
    %dma_wait3A_83 = tpu.memref_squeeze %dma_wait3A_82 : memref<1x128x64xbf16, #tpu.memory_space<vmem>> -> memref<128x64xbf16, #tpu.memory_space<vmem>>
    %dma_wait3A_84 = arith.constant 0 : i32
    %dma_wait3A_85 = tpu.memref_slice %arg8[%dma_wait3A_79, %dma_wait3A_84] : memref<40x128xi32, #tpu.memory_space<vmem>> -> memref<1x128xi32, #tpu.memory_space<vmem>>
    %dma_wait3A_86 = tpu.memref_squeeze %dma_wait3A_85 : memref<1x128xi32, #tpu.memory_space<vmem>> -> memref<128xi32, #tpu.memory_space<vmem>>
    %dma_wait3A_87 = arith.constant 0 : i32
    %dma_wait3A_88 = arith.constant 0 : i32
    %dma_wait3A_89 = tpu.memref_slice %arg10[%dma_wait3A_87, %dma_wait3A_88] : memref<10240x64xbf16, #tpu.memory_space<vmem_shared>> -> memref<10240x64xbf16, #tpu.memory_space<vmem_shared>>
    tpu.wait_indirect_dma semaphore(%arg12 : memref<!tpu.dma_semaphore, #tpu.memory_space<semaphore_mem>>) src(%dma_wait3A_83 : memref<128x64xbf16, #tpu.memory_space<vmem>>) dst(%dma_wait3A_89 : memref<10240x64xbf16, #tpu.memory_space<vmem_shared>>)
    %dma_wait3A_90 = arith.constant 0 : i32
    %dma_wait3A_91 = arith.constant 0 : i32
    %dma_wait3A_92 = arith.constant 0 : i32
    %dma_wait3A_93 = arith.constant 0 : i32
    %dma_wait3A_94 = tpu.memref_slice %arg9[%dma_wait3A_90, %dma_wait3A_92, %dma_wait3A_93] : memref<12x128x64xbf16, #tpu.memory_space<vmem>> -> memref<1x128x64xbf16, #tpu.memory_space<vmem>>
    %dma_wait3A_95 = tpu.memref_squeeze %dma_wait3A_94 : memref<1x128x64xbf16, #tpu.memory_space<vmem>> -> memref<128x64xbf16, #tpu.memory_space<vmem>>
    %dma_wait3A_96 = arith.constant 0 : i32
    %dma_wait3A_97 = tpu.memref_slice %arg8[%dma_wait3A_91, %dma_wait3A_96] : memref<40x128xi32, #tpu.memory_space<vmem>> -> memref<1x128xi32, #tpu.memory_space<vmem>>
    %dma_wait3A_98 = tpu.memref_squeeze %dma_wait3A_97 : memref<1x128xi32, #tpu.memory_space<vmem>> -> memref<128xi32, #tpu.memory_space<vmem>>
    %dma_wait3A_99 = arith.constant 0 : i32
    %dma_wait3A_100 = arith.constant 0 : i32
    %dma_wait3A_101 = tpu.memref_slice %arg10[%dma_wait3A_99, %dma_wait3A_100] : memref<10240x64xbf16, #tpu.memory_space<vmem_shared>> -> memref<10240x64xbf16, #tpu.memory_space<vmem_shared>>
    tpu.wait_indirect_dma semaphore(%arg12 : memref<!tpu.dma_semaphore, #tpu.memory_space<semaphore_mem>>) src(%dma_wait3A_95 : memref<128x64xbf16, #tpu.memory_space<vmem>>) dst(%dma_wait3A_101 : memref<10240x64xbf16, #tpu.memory_space<vmem_shared>>)
    %dma_wait3A_102 = arith.constant 0 : i32
    %dma_wait3A_103 = arith.constant 0 : i32
    %dma_wait3A_104 = arith.constant 0 : i32
    %dma_wait3A_105 = arith.constant 0 : i32
    %dma_wait3A_106 = tpu.memref_slice %arg9[%dma_wait3A_102, %dma_wait3A_104, %dma_wait3A_105] : memref<12x128x64xbf16, #tpu.memory_space<vmem>> -> memref<1x128x64xbf16, #tpu.memory_space<vmem>>
    %dma_wait3A_107 = tpu.memref_squeeze %dma_wait3A_106 : memref<1x128x64xbf16, #tpu.memory_space<vmem>> -> memref<128x64xbf16, #tpu.memory_space<vmem>>
    %dma_wait3A_108 = arith.constant 0 : i32
    %dma_wait3A_109 = tpu.memref_slice %arg8[%dma_wait3A_103, %dma_wait3A_108] : memref<40x128xi32, #tpu.memory_space<vmem>> -> memref<1x128xi32, #tpu.memory_space<vmem>>
    %dma_wait3A_110 = tpu.memref_squeeze %dma_wait3A_109 : memref<1x128xi32, #tpu.memory_space<vmem>> -> memref<128xi32, #tpu.memory_space<vmem>>
    %dma_wait3A_111 = arith.constant 0 : i32
    %dma_wait3A_112 = arith.constant 0 : i32
    %dma_wait3A_113 = tpu.memref_slice %arg10[%dma_wait3A_111, %dma_wait3A_112] : memref<10240x64xbf16, #tpu.memory_space<vmem_shared>> -> memref<10240x64xbf16, #tpu.memory_space<vmem_shared>>
    tpu.wait_indirect_dma semaphore(%arg12 : memref<!tpu.dma_semaphore, #tpu.memory_space<semaphore_mem>>) src(%dma_wait3A_107 : memref<128x64xbf16, #tpu.memory_space<vmem>>) dst(%dma_wait3A_113 : memref<10240x64xbf16, #tpu.memory_space<vmem_shared>>)
    %dma_wait3A_114 = arith.constant 0 : i32
    %dma_wait3A_115 = arith.constant 0 : i32
    %dma_wait3A_116 = arith.constant 0 : i32
    %dma_wait3A_117 = arith.constant 0 : i32
    %dma_wait3A_118 = tpu.memref_slice %arg9[%dma_wait3A_114, %dma_wait3A_116, %dma_wait3A_117] : memref<12x128x64xbf16, #tpu.memory_space<vmem>> -> memref<1x128x64xbf16, #tpu.memory_space<vmem>>
    %dma_wait3A_119 = tpu.memref_squeeze %dma_wait3A_118 : memref<1x128x64xbf16, #tpu.memory_space<vmem>> -> memref<128x64xbf16, #tpu.memory_space<vmem>>
    %dma_wait3A_120 = arith.constant 0 : i32
    %dma_wait3A_121 = tpu.memref_slice %arg8[%dma_wait3A_115, %dma_wait3A_120] : memref<40x128xi32, #tpu.memory_space<vmem>> -> memref<1x128xi32, #tpu.memory_space<vmem>>
    %dma_wait3A_122 = tpu.memref_squeeze %dma_wait3A_121 : memref<1x128xi32, #tpu.memory_space<vmem>> -> memref<128xi32, #tpu.memory_space<vmem>>
    %dma_wait3A_123 = arith.constant 0 : i32
    %dma_wait3A_124 = arith.constant 0 : i32
    %dma_wait3A_125 = tpu.memref_slice %arg10[%dma_wait3A_123, %dma_wait3A_124] : memref<10240x64xbf16, #tpu.memory_space<vmem_shared>> -> memref<10240x64xbf16, #tpu.memory_space<vmem_shared>>
    tpu.wait_indirect_dma semaphore(%arg12 : memref<!tpu.dma_semaphore, #tpu.memory_space<semaphore_mem>>) src(%dma_wait3A_119 : memref<128x64xbf16, #tpu.memory_space<vmem>>) dst(%dma_wait3A_125 : memref<10240x64xbf16, #tpu.memory_space<vmem_shared>>)
    %dma_wait3A_126 = arith.constant 0 : i32
    %dma_wait3A_127 = arith.constant 0 : i32
    %dma_wait3A_128 = arith.constant 0 : i32
    %dma_wait3A_129 = arith.constant 0 : i32
    %dma_wait3A_130 = tpu.memref_slice %arg9[%dma_wait3A_126, %dma_wait3A_128, %dma_wait3A_129] : memref<12x128x64xbf16, #tpu.memory_space<vmem>> -> memref<1x128x64xbf16, #tpu.memory_space<vmem>>
    %dma_wait3A_131 = tpu.memref_squeeze %dma_wait3A_130 : memref<1x128x64xbf16, #tpu.memory_space<vmem>> -> memref<128x64xbf16, #tpu.memory_space<vmem>>
    %dma_wait3A_132 = arith.constant 0 : i32
    %dma_wait3A_133 = tpu.memref_slice %arg8[%dma_wait3A_127, %dma_wait3A_132] : memref<40x128xi32, #tpu.memory_space<vmem>> -> memref<1x128xi32, #tpu.memory_space<vmem>>
    %dma_wait3A_134 = tpu.memref_squeeze %dma_wait3A_133 : memref<1x128xi32, #tpu.memory_space<vmem>> -> memref<128xi32, #tpu.memory_space<vmem>>
    %dma_wait3A_135 = arith.constant 0 : i32
    %dma_wait3A_136 = arith.constant 0 : i32
    %dma_wait3A_137 = tpu.memref_slice %arg10[%dma_wait3A_135, %dma_wait3A_136] : memref<10240x64xbf16, #tpu.memory_space<vmem_shared>> -> memref<10240x64xbf16, #tpu.memory_space<vmem_shared>>
    tpu.wait_indirect_dma semaphore(%arg12 : memref<!tpu.dma_semaphore, #tpu.memory_space<semaphore_mem>>) src(%dma_wait3A_131 : memref<128x64xbf16, #tpu.memory_space<vmem>>) dst(%dma_wait3A_137 : memref<10240x64xbf16, #tpu.memory_space<vmem_shared>>)
    %dma_wait3A_138 = arith.constant 0 : i32
    %dma_wait3A_139 = arith.constant 0 : i32
    %dma_wait3A_140 = arith.constant 0 : i32
    %dma_wait3A_141 = arith.constant 0 : i32
    %dma_wait3A_142 = tpu.memref_slice %arg9[%dma_wait3A_138, %dma_wait3A_140, %dma_wait3A_141] : memref<12x128x64xbf16, #tpu.memory_space<vmem>> -> memref<1x128x64xbf16, #tpu.memory_space<vmem>>
    %dma_wait3A_143 = tpu.memref_squeeze %dma_wait3A_142 : memref<1x128x64xbf16, #tpu.memory_space<vmem>> -> memref<128x64xbf16, #tpu.memory_space<vmem>>
    %dma_wait3A_144 = arith.constant 0 : i32
    %dma_wait3A_145 = tpu.memref_slice %arg8[%dma_wait3A_139, %dma_wait3A_144] : memref<40x128xi32, #tpu.memory_space<vmem>> -> memref<1x128xi32, #tpu.memory_space<vmem>>
    %dma_wait3A_146 = tpu.memref_squeeze %dma_wait3A_145 : memref<1x128xi32, #tpu.memory_space<vmem>> -> memref<128xi32, #tpu.memory_space<vmem>>
    %dma_wait3A_147 = arith.constant 0 : i32
    %dma_wait3A_148 = arith.constant 0 : i32
    %dma_wait3A_149 = tpu.memref_slice %arg10[%dma_wait3A_147, %dma_wait3A_148] : memref<10240x64xbf16, #tpu.memory_space<vmem_shared>> -> memref<10240x64xbf16, #tpu.memory_space<vmem_shared>>
    tpu.wait_indirect_dma semaphore(%arg12 : memref<!tpu.dma_semaphore, #tpu.memory_space<semaphore_mem>>) src(%dma_wait3A_143 : memref<128x64xbf16, #tpu.memory_space<vmem>>) dst(%dma_wait3A_149 : memref<10240x64xbf16, #tpu.memory_space<vmem_shared>>)
    %barrier3A_150 = arith.constant 0 : index
    tpu.barrier barrier_id(%barrier3A_150)
    %mul3A_151 = arith.constant 640 : i32
    %mul3A_152 = arith.muli %arg1, %mul3A_151 : i32
    "tpu.region"() ({
      %run_scoped3A = tpu.sem_alloc : memref<!tpu.dma_semaphore, #tpu.memory_space<semaphore_mem>>
      %dma_start3A_153 = arith.constant 0 : i32
      %dma_start3A_154 = tpu.memref_slice %arg6[%arg0, %mul3A_152, %dma_start3A_153] : memref<2x10240x64xbf16, #tpu.memory_space<hbm>> -> memref<1x640x64xbf16, #tpu.memory_space<hbm>>
      %dma_start3A_155 = tpu.memref_squeeze %dma_start3A_154 : memref<1x640x64xbf16, #tpu.memory_space<hbm>> -> memref<640x64xbf16, #tpu.memory_space<hbm>>
      %dma_start3A_156 = arith.constant 0 : i32
      %dma_start3A_157 = tpu.memref_slice %arg10[%mul3A_152, %dma_start3A_156] : memref<10240x64xbf16, #tpu.memory_space<vmem_shared>> -> memref<640x64xbf16, #tpu.memory_space<vmem_shared>>
      tpu.enqueue_dma source(%dma_start3A_157 : memref<640x64xbf16, #tpu.memory_space<vmem_shared>>) target(%dma_start3A_155 : memref<640x64xbf16, #tpu.memory_space<hbm>>) target_semaphore(%run_scoped3A : memref<!tpu.dma_semaphore, #tpu.memory_space<semaphore_mem>>)
      %dma_wait3A_158 = arith.constant 0 : i32
      %dma_wait3A_159 = tpu.memref_slice %arg6[%arg0, %mul3A_152, %dma_wait3A_158] : memref<2x10240x64xbf16, #tpu.memory_space<hbm>> -> memref<1x640x64xbf16, #tpu.memory_space<hbm>>
      %dma_wait3A_160 = tpu.memref_squeeze %dma_wait3A_159 : memref<1x640x64xbf16, #tpu.memory_space<hbm>> -> memref<640x64xbf16, #tpu.memory_space<hbm>>
      %dma_wait3A_161 = arith.constant 0 : i32
      %dma_wait3A_162 = tpu.memref_slice %arg10[%mul3A_152, %dma_wait3A_161] : memref<10240x64xbf16, #tpu.memory_space<vmem_shared>> -> memref<640x64xbf16, #tpu.memory_space<vmem_shared>>
      tpu.wait_dma2 semaphore(%run_scoped3A : memref<!tpu.dma_semaphore, #tpu.memory_space<semaphore_mem>>) src(%dma_wait3A_162 : memref<640x64xbf16, #tpu.memory_space<vmem_shared>>) dst(%dma_wait3A_160 : memref<640x64xbf16, #tpu.memory_space<hbm>>)
      tpu.yield
    }) : () -> ()
    return
  }
}

#map = affine_map<(d0, d1) -> (0, 0, 0)>
#map1 = affine_map<(d0, d1) -> (0)>
#map2 = affine_map<(d0, d1) -> (0, 0)>
module attributes {stable_mosaic.version = 14 : i64} {
  func.func @degk(%arg0: i32, %arg1: i32, %arg2: memref<32x40x128xi32, #tpu.memory_space<hbm>>, %arg3: memref<640xf32, #tpu.memory_space<hbm>>, %arg4: memref<128xf32, #tpu.memory_space<hbm>>, %arg5: memref<2x10240xf32, #tpu.memory_space<hbm>>, %arg6: memref<40x128xi32, #tpu.memory_space<vmem>>, %arg7: memref<128xf32, #tpu.memory_space<vmem>>, %arg8: memref<10240xf32, #tpu.memory_space<vmem_shared>>, %arg9: memref<!tpu.dma_semaphore, #tpu.memory_space<semaphore_mem>>) attributes {dimension_semantics = [#tpu.dimension_semantics<core_parallel>, #tpu.dimension_semantics<subcore_parallel>], iteration_bounds = array<i64: 2, 16>, scalar_prefetch = 0 : i64, scratch_operands = 4 : i64, tpu.core_type = #tpu.core_type<sc_vector_subcore>, window_params = [{transform_indices = #map}, {transform_indices = #map1}, {transform_indices = #map1}, {transform_indices = #map2}]} {
    %mul3A = arith.constant 2 : i32
    %mul3A_0 = arith.muli %arg1, %mul3A : i32
    %add3A = arith.addi %mul3A_0, %arg0 : i32
    %mul3A_1 = arith.constant 640 : i32
    %mul3A_2 = arith.muli %arg1, %mul3A_1 : i32
    "tpu.region"() ({
      %run_scoped3A = tpu.sem_alloc : memref<!tpu.dma_semaphore, #tpu.memory_space<semaphore_mem>>
      %dma_start3A = tpu.memref_slice %arg8[%mul3A_2] : memref<10240xf32, #tpu.memory_space<vmem_shared>> -> memref<640xf32, #tpu.memory_space<vmem_shared>>
      tpu.enqueue_dma source(%arg3 : memref<640xf32, #tpu.memory_space<hbm>>) target(%dma_start3A : memref<640xf32, #tpu.memory_space<vmem_shared>>) target_semaphore(%run_scoped3A : memref<!tpu.dma_semaphore, #tpu.memory_space<semaphore_mem>>)
      %dma_wait3A = tpu.memref_slice %arg8[%mul3A_2] : memref<10240xf32, #tpu.memory_space<vmem_shared>> -> memref<640xf32, #tpu.memory_space<vmem_shared>>
      tpu.wait_dma2 semaphore(%run_scoped3A : memref<!tpu.dma_semaphore, #tpu.memory_space<semaphore_mem>>) src(%arg3 : memref<640xf32, #tpu.memory_space<hbm>>) dst(%dma_wait3A : memref<640xf32, #tpu.memory_space<vmem_shared>>)
      tpu.yield
    }) : () -> ()
    "tpu.region"() ({
      %run_scoped3A = tpu.sem_alloc : memref<!tpu.dma_semaphore, #tpu.memory_space<semaphore_mem>>
      %dma_start3A = arith.constant 0 : i32
      %dma_start3A_17 = arith.constant 0 : i32
      %dma_start3A_18 = tpu.memref_slice %arg2[%add3A, %dma_start3A, %dma_start3A_17] : memref<32x40x128xi32, #tpu.memory_space<hbm>> -> memref<1x40x128xi32, #tpu.memory_space<hbm>>
      %dma_start3A_19 = tpu.memref_squeeze %dma_start3A_18 : memref<1x40x128xi32, #tpu.memory_space<hbm>> -> memref<40x128xi32, #tpu.memory_space<hbm>>
      %dma_start3A_20 = arith.constant 0 : i32
      %dma_start3A_21 = arith.constant 0 : i32
      %dma_start3A_22 = tpu.memref_slice %arg2[%add3A, %dma_start3A_20, %dma_start3A_21] : memref<32x40x128xi32, #tpu.memory_space<hbm>> -> memref<1x40x128xi32, #tpu.memory_space<hbm>>
      %dma_start3A_23 = tpu.memref_squeeze %dma_start3A_22 : memref<1x40x128xi32, #tpu.memory_space<hbm>> -> memref<40x128xi32, #tpu.memory_space<hbm>>
      tpu.enqueue_dma source(%dma_start3A_23 : memref<40x128xi32, #tpu.memory_space<hbm>>) target(%arg6 : memref<40x128xi32, #tpu.memory_space<vmem>>) target_semaphore(%run_scoped3A : memref<!tpu.dma_semaphore, #tpu.memory_space<semaphore_mem>>)
      %dma_wait3A = arith.constant 0 : i32
      %dma_wait3A_24 = arith.constant 0 : i32
      %dma_wait3A_25 = tpu.memref_slice %arg2[%add3A, %dma_wait3A, %dma_wait3A_24] : memref<32x40x128xi32, #tpu.memory_space<hbm>> -> memref<1x40x128xi32, #tpu.memory_space<hbm>>
      %dma_wait3A_26 = tpu.memref_squeeze %dma_wait3A_25 : memref<1x40x128xi32, #tpu.memory_space<hbm>> -> memref<40x128xi32, #tpu.memory_space<hbm>>
      %dma_wait3A_27 = arith.constant 0 : i32
      %dma_wait3A_28 = arith.constant 0 : i32
      %dma_wait3A_29 = tpu.memref_slice %arg2[%add3A, %dma_wait3A_27, %dma_wait3A_28] : memref<32x40x128xi32, #tpu.memory_space<hbm>> -> memref<1x40x128xi32, #tpu.memory_space<hbm>>
      %dma_wait3A_30 = tpu.memref_squeeze %dma_wait3A_29 : memref<1x40x128xi32, #tpu.memory_space<hbm>> -> memref<40x128xi32, #tpu.memory_space<hbm>>
      tpu.wait_dma2 semaphore(%run_scoped3A : memref<!tpu.dma_semaphore, #tpu.memory_space<semaphore_mem>>) src(%dma_wait3A_30 : memref<40x128xi32, #tpu.memory_space<hbm>>) dst(%arg6 : memref<40x128xi32, #tpu.memory_space<vmem>>)
      tpu.yield
    }) : () -> ()
    "tpu.region"() ({
      %run_scoped3A = tpu.sem_alloc : memref<!tpu.dma_semaphore, #tpu.memory_space<semaphore_mem>>
      tpu.enqueue_dma source(%arg4 : memref<128xf32, #tpu.memory_space<hbm>>) target(%arg7 : memref<128xf32, #tpu.memory_space<vmem>>) target_semaphore(%run_scoped3A : memref<!tpu.dma_semaphore, #tpu.memory_space<semaphore_mem>>)
      tpu.wait_dma2 semaphore(%run_scoped3A : memref<!tpu.dma_semaphore, #tpu.memory_space<semaphore_mem>>) src(%arg4 : memref<128xf32, #tpu.memory_space<hbm>>) dst(%arg7 : memref<128xf32, #tpu.memory_space<vmem>>)
      tpu.yield
    }) : () -> ()
    %barrier3A = arith.constant 0 : index
    tpu.barrier barrier_id(%barrier3A)
    %scan3A = arith.constant 0 : i32
    %scan3A_3 = arith.constant 0 : i32
    %scan3A_4 = arith.constant 40 : i32
    %scan3A_5 = arith.addi %scan3A_3, %scan3A_4 : i32
    %scan3A_6 = arith.constant 1 : i32
    scf.for %scan3A_17 = %scan3A_3 to %scan3A_5 step %scan3A_6  : i32 {
      %dma_start3A = arith.constant 0 : i32
      %dma_start3A_18 = tpu.memref_slice %arg6[%scan3A_17, %dma_start3A] : memref<40x128xi32, #tpu.memory_space<vmem>> -> memref<1x128xi32, #tpu.memory_space<vmem>>
      %dma_start3A_19 = tpu.memref_squeeze %dma_start3A_18 : memref<1x128xi32, #tpu.memory_space<vmem>> -> memref<128xi32, #tpu.memory_space<vmem>>
      %dma_start3A_20 = arith.constant 0 : i32
      %dma_start3A_21 = tpu.memref_slice %arg8[%dma_start3A_20] : memref<10240xf32, #tpu.memory_space<vmem_shared>> -> memref<10240xf32, #tpu.memory_space<vmem_shared>>
      tpu.enqueue_indirect_dma source(%arg7 : memref<128xf32, #tpu.memory_space<vmem>>) target(%dma_start3A_21 : memref<10240xf32, #tpu.memory_space<vmem_shared>>) offsets(%dma_start3A_19 : memref<128xi32, #tpu.memory_space<vmem>>) semaphore(%arg9 : memref<!tpu.dma_semaphore, #tpu.memory_space<semaphore_mem>>) {add = true}
    }
    %scan3A_7 = arith.constant 40 : i32
    %scan3A_8 = arith.constant 0 : i32
    %scan3A_9 = arith.constant 0 : i32
    %scan3A_10 = arith.constant 40 : i32
    %scan3A_11 = arith.addi %scan3A_9, %scan3A_10 : i32
    %scan3A_12 = arith.constant 1 : i32
    scf.for %scan3A_17 = %scan3A_9 to %scan3A_11 step %scan3A_12  : i32 {
      %dma_wait3A = arith.constant 0 : i32
      %dma_wait3A_18 = arith.constant 0 : i32
      %dma_wait3A_19 = tpu.memref_slice %arg6[%dma_wait3A, %dma_wait3A_18] : memref<40x128xi32, #tpu.memory_space<vmem>> -> memref<1x128xi32, #tpu.memory_space<vmem>>
      %dma_wait3A_20 = tpu.memref_squeeze %dma_wait3A_19 : memref<1x128xi32, #tpu.memory_space<vmem>> -> memref<128xi32, #tpu.memory_space<vmem>>
      %dma_wait3A_21 = arith.constant 0 : i32
      %dma_wait3A_22 = tpu.memref_slice %arg8[%dma_wait3A_21] : memref<10240xf32, #tpu.memory_space<vmem_shared>> -> memref<10240xf32, #tpu.memory_space<vmem_shared>>
      tpu.wait_indirect_dma semaphore(%arg9 : memref<!tpu.dma_semaphore, #tpu.memory_space<semaphore_mem>>) src(%arg7 : memref<128xf32, #tpu.memory_space<vmem>>) dst(%dma_wait3A_22 : memref<10240xf32, #tpu.memory_space<vmem_shared>>)
    }
    %scan3A_13 = arith.constant 40 : i32
    %barrier3A_14 = arith.constant 0 : index
    tpu.barrier barrier_id(%barrier3A_14)
    %mul3A_15 = arith.constant 640 : i32
    %mul3A_16 = arith.muli %arg1, %mul3A_15 : i32
    "tpu.region"() ({
      %run_scoped3A = tpu.sem_alloc : memref<!tpu.dma_semaphore, #tpu.memory_space<semaphore_mem>>
      %dma_start3A = tpu.memref_slice %arg5[%arg0, %mul3A_16] : memref<2x10240xf32, #tpu.memory_space<hbm>> -> memref<1x640xf32, #tpu.memory_space<hbm>>
      %dma_start3A_17 = tpu.memref_squeeze %dma_start3A : memref<1x640xf32, #tpu.memory_space<hbm>> -> memref<640xf32, #tpu.memory_space<hbm>>
      %dma_start3A_18 = tpu.memref_slice %arg8[%mul3A_16] : memref<10240xf32, #tpu.memory_space<vmem_shared>> -> memref<640xf32, #tpu.memory_space<vmem_shared>>
      tpu.enqueue_dma source(%dma_start3A_18 : memref<640xf32, #tpu.memory_space<vmem_shared>>) target(%dma_start3A_17 : memref<640xf32, #tpu.memory_space<hbm>>) target_semaphore(%run_scoped3A : memref<!tpu.dma_semaphore, #tpu.memory_space<semaphore_mem>>)
      %dma_wait3A = tpu.memref_slice %arg5[%arg0, %mul3A_16] : memref<2x10240xf32, #tpu.memory_space<hbm>> -> memref<1x640xf32, #tpu.memory_space<hbm>>
      %dma_wait3A_19 = tpu.memref_squeeze %dma_wait3A : memref<1x640xf32, #tpu.memory_space<hbm>> -> memref<640xf32, #tpu.memory_space<hbm>>
      %dma_wait3A_20 = tpu.memref_slice %arg8[%mul3A_16] : memref<10240xf32, #tpu.memory_space<vmem_shared>> -> memref<640xf32, #tpu.memory_space<vmem_shared>>
      tpu.wait_dma2 semaphore(%run_scoped3A : memref<!tpu.dma_semaphore, #tpu.memory_space<semaphore_mem>>) src(%dma_wait3A_20 : memref<640xf32, #tpu.memory_space<vmem_shared>>) dst(%dma_wait3A_19 : memref<640xf32, #tpu.memory_space<hbm>>)
      tpu.yield
    }) : () -> ()
    return
  }
}

module attributes {stable_mosaic.version = 14 : i64} {
  func.func @_mm1_body(%arg0: i32, %arg1: memref<2048x256xf32, #tpu.memory_space<vmem>>, %arg2: memref<256x64xf32, #tpu.memory_space<vmem>>, %arg3: memref<256x64xf32, #tpu.memory_space<vmem>>, %arg4: memref<2048x64xf32, #tpu.memory_space<vmem>>, %arg5: memref<2048x64xbf16, #tpu.memory_space<vmem>>) attributes {dimension_semantics = [#tpu.dimension_semantics<arbitrary>], iteration_bounds = array<i64: 5>, scalar_prefetch = 0 : i64, scratch_operands = 0 : i64, tpu.core_type = #tpu.core_type<tc>, window_params = [{transform_indices = @transform_0, window_bounds = array<i64: 2048, 256>}, {pipeline_mode = #tpu.pipeline_mode<synchronous>, transform_indices = @transform_1, window_bounds = array<i64: 256, 64>}, {pipeline_mode = #tpu.pipeline_mode<synchronous>, transform_indices = @transform_2, window_bounds = array<i64: 256, 64>}, {transform_indices = @transform_3, window_bounds = array<i64: 2048, 64>}, {transform_indices = @transform_4, window_bounds = array<i64: 2048, 64>}]} {
    %get3A = arith.constant 0 : index
    %get3A_0 = arith.constant 0 : index
    %get3A_1 = vector.load %arg1[%get3A, %get3A_0] : memref<2048x256xf32, #tpu.memory_space<vmem>>, vector<2048x256xf32>
    %get3A_2 = arith.constant 0 : index
    %get3A_3 = arith.constant 0 : index
    %get3A_4 = vector.load %arg2[%get3A_2, %get3A_3] : memref<256x64xf32, #tpu.memory_space<vmem>>, vector<256x64xf32>
    %dot_general3A = arith.constant dense<0.000000e+00> : vector<2048x64xf32>
    %dot_general3A_5 = tpu.matmul %get3A_1, %get3A_4, %dot_general3A {dimension_numbers = #tpu.dot_dimension_numbers<[1], [0], [0], [1], [0, 0, 1, 1], [], []>, transpose_lhs_hint = false} : vector<2048x256xf32>, vector<256x64xf32>, vector<2048x64xf32> -> vector<2048x64xf32>
    %swap3A = arith.constant 0 : index
    %swap3A_6 = arith.constant 0 : index
    %swap3A_7 = vector.load %arg4[%swap3A, %swap3A_6] : memref<2048x64xf32, #tpu.memory_space<vmem>>, vector<2048x64xf32>
    tpu.vector_store %arg4[%swap3A, %swap3A_6], %dot_general3A_5 {strides = array<i32>} : memref<2048x64xf32, #tpu.memory_space<vmem>>, vector<2048x64xf32>,
    %get3A_8 = arith.constant 0 : index
    %get3A_9 = arith.constant 0 : index
    %get3A_10 = vector.load %arg3[%get3A_8, %get3A_9] : memref<256x64xf32, #tpu.memory_space<vmem>>, vector<256x64xf32>
    %dot_general3A_11 = arith.constant dense<0.000000e+00> : vector<2048x64xf32>
    %dot_general3A_12 = tpu.matmul %get3A_1, %get3A_10, %dot_general3A_11 {dimension_numbers = #tpu.dot_dimension_numbers<[1], [0], [0], [1], [0, 0, 1, 1], [], []>, transpose_lhs_hint = false} : vector<2048x256xf32>, vector<256x64xf32>, vector<2048x64xf32> -> vector<2048x64xf32>
    %convert_element_type3A = arith.truncf %dot_general3A_12 : vector<2048x64xf32> to vector<2048x64xbf16>
    %swap3A_13 = arith.constant 0 : index
    %swap3A_14 = arith.constant 0 : index
    %swap3A_15 = vector.load %arg5[%swap3A_13, %swap3A_14] : memref<2048x64xbf16, #tpu.memory_space<vmem>>, vector<2048x64xbf16>
    tpu.vector_store %arg5[%swap3A_13, %swap3A_14], %convert_element_type3A {strides = array<i32>} : memref<2048x64xbf16, #tpu.memory_space<vmem>>, vector<2048x64xbf16>,
    return
  }
  func.func @transform_0(%arg0: i32) -> (i32, i32) {
    %c0_i32 = arith.constant 0 : i32
    %c0_i32_0 = arith.constant 0 : i32
    return %arg0, %c0_i32 : i32, i32
  }
  func.func @transform_1(%arg0: i32) -> (i32, i32) {
    %c0_i32 = arith.constant 0 : i32
    %c0_i32_0 = arith.constant 0 : i32
    %c0_i32_1 = arith.constant 0 : i32
    return %c0_i32, %c0_i32_0 : i32, i32
  }
  func.func @transform_2(%arg0: i32) -> (i32, i32) {
    %c0_i32 = arith.constant 0 : i32
    %c0_i32_0 = arith.constant 0 : i32
    %c0_i32_1 = arith.constant 0 : i32
    return %c0_i32, %c0_i32_0 : i32, i32
  }
  func.func @transform_3(%arg0: i32) -> (i32, i32) {
    %c0_i32 = arith.constant 0 : i32
    %c0_i32_0 = arith.constant 0 : i32
    return %arg0, %c0_i32 : i32, i32
  }
  func.func @transform_4(%arg0: i32) -> (i32, i32) {
    %c0_i32 = arith.constant 0 : i32
    %c0_i32_0 = arith.constant 0 : i32
    return %arg0, %c0_i32 : i32, i32
  }
}

module attributes {stable_mosaic.version = 14 : i64} {
  func.func @_mm2_body(%arg0: i32, %arg1: memref<2048x64xf32, #tpu.memory_space<vmem>>, %arg2: memref<2x2048x64xbf16, #tpu.memory_space<vmem>>, %arg3: memref<2048x2xf32, #tpu.memory_space<vmem>>, %arg4: memref<1x64xf32, #tpu.memory_space<vmem>>, %arg5: memref<64x64xf32, #tpu.memory_space<vmem>>, %arg6: memref<2048x32xf32, #tpu.memory_space<vmem>>, %arg7: memref<2048x32xbf16, #tpu.memory_space<vmem>>) attributes {dimension_semantics = [#tpu.dimension_semantics<arbitrary>], iteration_bounds = array<i64: 5>, scalar_prefetch = 0 : i64, scratch_operands = 0 : i64, tpu.core_type = #tpu.core_type<tc>, window_params = [{transform_indices = @transform_0, window_bounds = array<i64: 2048, 64>}, {transform_indices = @transform_1, window_bounds = array<i64: 2, 2048, 64>}, {transform_indices = @transform_2, window_bounds = array<i64: 2048, 2>}, {pipeline_mode = #tpu.pipeline_mode<synchronous>, transform_indices = @transform_3, window_bounds = array<i64: 1, 64>}, {pipeline_mode = #tpu.pipeline_mode<synchronous>, transform_indices = @transform_4, window_bounds = array<i64: 64, 64>}, {transform_indices = @transform_5, window_bounds = array<i64: 2048, 32>}, {transform_indices = @transform_6, window_bounds = array<i64: 2048, 32>}]} {
    %get3A = arith.constant 0 : index
    %get3A_0 = arith.constant 0 : index
    %get3A_1 = vector.load %arg3[%get3A, %get3A_0] : memref<2048x2xf32, #tpu.memory_space<vmem>>, vector<2048x2xf32>
    %slice3A = vector.extract_strided_slice %get3A_1 {offsets = [0, 0], sizes = [2048, 1], strides = [1, 1]} : vector<2048x2xf32> to vector<2048x1xf32>
    %squeeze3A = vector.shape_cast %slice3A : vector<2048x1xf32> to vector<2048xf32>
    %slice3A_2 = vector.extract_strided_slice %get3A_1 {offsets = [0, 1], sizes = [2048, 1], strides = [1, 1]} : vector<2048x2xf32> to vector<2048x1xf32>
    %squeeze3A_3 = vector.shape_cast %slice3A_2 : vector<2048x1xf32> to vector<2048xf32>
    %add3A = arith.addf %squeeze3A, %squeeze3A_3 : vector<2048xf32>
    %add3A_4 = arith.constant 9.99999997E-7 : f32
    %add3A_5 = vector.broadcast %add3A_4 : f32 to vector<2048xf32>
    %add3A_6 = arith.addf %add3A, %add3A_5 : vector<2048xf32>
    %get3A_7 = arith.constant 0 : index
    %get3A_8 = arith.constant 0 : index
    %get3A_9 = arith.constant 0 : index
    %get3A_10 = vector.load %arg2[%get3A_7, %get3A_8, %get3A_9] : memref<2x2048x64xbf16, #tpu.memory_space<vmem>>, vector<1x2048x64xbf16>
    %get3A_11 = vector.shape_cast %get3A_10 : vector<1x2048x64xbf16> to vector<2048x64xbf16>
    %convert_element_type3A = arith.extf %get3A_11 : vector<2048x64xbf16> to vector<2048x64xf32>
    %get3A_12 = arith.constant 1 : index
    %get3A_13 = arith.constant 0 : index
    %get3A_14 = arith.constant 0 : index
    %get3A_15 = vector.load %arg2[%get3A_12, %get3A_13, %get3A_14] : memref<2x2048x64xbf16, #tpu.memory_space<vmem>>, vector<1x2048x64xbf16>
    %get3A_16 = vector.shape_cast %get3A_15 : vector<1x2048x64xbf16> to vector<2048x64xbf16>
    %convert_element_type3A_17 = arith.extf %get3A_16 : vector<2048x64xbf16> to vector<2048x64xf32>
    %add3A_18 = arith.addf %convert_element_type3A, %convert_element_type3A_17 : vector<2048x64xf32>
    %broadcast_in_dim3A = vector.shape_cast %add3A_6 : vector<2048xf32> to vector<2048x1xf32>
    %div3A = vector.broadcast %broadcast_in_dim3A : vector<2048x1xf32> to vector<2048x64xf32>
    %div3A_19 = arith.divf %add3A_18, %div3A : vector<2048x64xf32>
    %get3A_20 = arith.constant 0 : index
    %get3A_21 = arith.constant 0 : index
    %get3A_22 = vector.load %arg1[%get3A_20, %get3A_21] : memref<2048x64xf32, #tpu.memory_space<vmem>>, vector<2048x64xf32>
    %add3A_23 = arith.addf %get3A_22, %div3A_19 : vector<2048x64xf32>
    %get3A_24 = arith.constant 0 : index
    %get3A_25 = arith.constant 0 : index
    %get3A_26 = vector.load %arg4[%get3A_24, %get3A_25] : memref<1x64xf32, #tpu.memory_space<vmem>>, vector<1x64xf32>
    %add3A_27 = vector.broadcast %get3A_26 : vector<1x64xf32> to vector<2048x64xf32>
    %add3A_28 = arith.addf %add3A_23, %add3A_27 : vector<2048x64xf32>
    %max3A = arith.constant 0.000000e+00 : f32
    %max3A_29 = vector.broadcast %max3A : f32 to vector<2048x64xf32>
    %max3A_30 = arith.maximumf %add3A_28, %max3A_29 : vector<2048x64xf32>
    %get3A_31 = arith.constant 0 : index
    %get3A_32 = arith.constant 0 : index
    %get3A_33 = vector.load %arg5[%get3A_31, %get3A_32] : memref<64x64xf32, #tpu.memory_space<vmem>>, vector<64x64xf32>
    %dot_general3A = arith.constant dense<0.000000e+00> : vector<2048x64xf32>
    %dot_general3A_34 = tpu.matmul %max3A_30, %get3A_33, %dot_general3A {dimension_numbers = #tpu.dot_dimension_numbers<[1], [0], [0], [1], [0, 0, 1, 1], [], []>, transpose_lhs_hint = false} : vector<2048x64xf32>, vector<64x64xf32>, vector<2048x64xf32> -> vector<2048x64xf32>
    %slice3A_35 = vector.extract_strided_slice %dot_general3A_34 {offsets = [0, 0], sizes = [2048, 32], strides = [1, 1]} : vector<2048x64xf32> to vector<2048x32xf32>
    %swap3A = arith.constant 0 : index
    %swap3A_36 = arith.constant 0 : index
    %swap3A_37 = vector.load %arg6[%swap3A, %swap3A_36] : memref<2048x32xf32, #tpu.memory_space<vmem>>, vector<2048x32xf32>
    tpu.vector_store %arg6[%swap3A, %swap3A_36], %slice3A_35 {strides = array<i32>} : memref<2048x32xf32, #tpu.memory_space<vmem>>, vector<2048x32xf32>,
    %slice3A_38 = vector.extract_strided_slice %dot_general3A_34 {offsets = [0, 32], sizes = [2048, 32], strides = [1, 1]} : vector<2048x64xf32> to vector<2048x32xf32>
    %convert_element_type3A_39 = arith.truncf %slice3A_38 : vector<2048x32xf32> to vector<2048x32xbf16>
    %swap3A_40 = arith.constant 0 : index
    %swap3A_41 = arith.constant 0 : index
    %swap3A_42 = vector.load %arg7[%swap3A_40, %swap3A_41] : memref<2048x32xbf16, #tpu.memory_space<vmem>>, vector<2048x32xbf16>
    tpu.vector_store %arg7[%swap3A_40, %swap3A_41], %convert_element_type3A_39 {strides = array<i32>} : memref<2048x32xbf16, #tpu.memory_space<vmem>>, vector<2048x32xbf16>,
    return
  }
  func.func @transform_0(%arg0: i32) -> (i32, i32) {
    %c0_i32 = arith.constant 0 : i32
    %c0_i32_0 = arith.constant 0 : i32
    return %arg0, %c0_i32 : i32, i32
  }
  func.func @transform_1(%arg0: i32) -> (i32, i32, i32) {
    %c0_i32 = arith.constant 0 : i32
    %c0_i32_0 = arith.constant 0 : i32
    %c0_i32_1 = arith.constant 0 : i32
    return %c0_i32, %arg0, %c0_i32_0 : i32, i32, i32
  }
  func.func @transform_2(%arg0: i32) -> (i32, i32) {
    %c0_i32 = arith.constant 0 : i32
    %c0_i32_0 = arith.constant 0 : i32
    return %arg0, %c0_i32 : i32, i32
  }
  func.func @transform_3(%arg0: i32) -> (i32, i32) {
    %c0_i32 = arith.constant 0 : i32
    %c0_i32_0 = arith.constant 0 : i32
    %c0_i32_1 = arith.constant 0 : i32
    return %c0_i32, %c0_i32_0 : i32, i32
  }
  func.func @transform_4(%arg0: i32) -> (i32, i32) {
    %c0_i32 = arith.constant 0 : i32
    %c0_i32_0 = arith.constant 0 : i32
    %c0_i32_1 = arith.constant 0 : i32
    return %c0_i32, %c0_i32_0 : i32, i32
  }
  func.func @transform_5(%arg0: i32) -> (i32, i32) {
    %c0_i32 = arith.constant 0 : i32
    %c0_i32_0 = arith.constant 0 : i32
    return %arg0, %c0_i32 : i32, i32
  }
  func.func @transform_6(%arg0: i32) -> (i32, i32) {
    %c0_i32 = arith.constant 0 : i32
    %c0_i32_0 = arith.constant 0 : i32
    return %arg0, %c0_i32 : i32, i32
  }
}

module attributes {stable_mosaic.version = 14 : i64} {
  func.func @_mm3_body(%arg0: i32, %arg1: memref<2048x32xf32, #tpu.memory_space<vmem>>, %arg2: memref<2x2048x32xbf16, #tpu.memory_space<vmem>>, %arg3: memref<2048x2xf32, #tpu.memory_space<vmem>>, %arg4: memref<1x32xf32, #tpu.memory_space<vmem>>, %arg5: memref<1x32xf32, #tpu.memory_space<vmem>>, %arg6: memref<1x1xf32, #tpu.memory_space<vmem>>, %arg7: memref<2048x1xf32, #tpu.memory_space<vmem>>) attributes {dimension_semantics = [#tpu.dimension_semantics<arbitrary>], iteration_bounds = array<i64: 5>, scalar_prefetch = 0 : i64, scratch_operands = 0 : i64, tpu.core_type = #tpu.core_type<tc>, window_params = [{transform_indices = @transform_0, window_bounds = array<i64: 2048, 32>}, {transform_indices = @transform_1, window_bounds = array<i64: 2, 2048, 32>}, {transform_indices = @transform_2, window_bounds = array<i64: 2048, 2>}, {pipeline_mode = #tpu.pipeline_mode<synchronous>, transform_indices = @transform_3, window_bounds = array<i64: 1, 32>}, {pipeline_mode = #tpu.pipeline_mode<synchronous>, transform_indices = @transform_4, window_bounds = array<i64: 1, 32>}, {pipeline_mode = #tpu.pipeline_mode<synchronous>, transform_indices = @transform_5, window_bounds = array<i64: 1, 1>}, {transform_indices = @transform_6, window_bounds = array<i64: 2048, 1>}]} {
    %get3A = arith.constant 0 : index
    %get3A_0 = arith.constant 0 : index
    %get3A_1 = vector.load %arg3[%get3A, %get3A_0] : memref<2048x2xf32, #tpu.memory_space<vmem>>, vector<2048x2xf32>
    %slice3A = vector.extract_strided_slice %get3A_1 {offsets = [0, 0], sizes = [2048, 1], strides = [1, 1]} : vector<2048x2xf32> to vector<2048x1xf32>
    %squeeze3A = vector.shape_cast %slice3A : vector<2048x1xf32> to vector<2048xf32>
    %slice3A_2 = vector.extract_strided_slice %get3A_1 {offsets = [0, 1], sizes = [2048, 1], strides = [1, 1]} : vector<2048x2xf32> to vector<2048x1xf32>
    %squeeze3A_3 = vector.shape_cast %slice3A_2 : vector<2048x1xf32> to vector<2048xf32>
    %add3A = arith.addf %squeeze3A, %squeeze3A_3 : vector<2048xf32>
    %add3A_4 = arith.constant 9.99999997E-7 : f32
    %add3A_5 = vector.broadcast %add3A_4 : f32 to vector<2048xf32>
    %add3A_6 = arith.addf %add3A, %add3A_5 : vector<2048xf32>
    %get3A_7 = arith.constant 0 : index
    %get3A_8 = arith.constant 0 : index
    %get3A_9 = arith.constant 0 : index
    %get3A_10 = vector.load %arg2[%get3A_7, %get3A_8, %get3A_9] : memref<2x2048x32xbf16, #tpu.memory_space<vmem>>, vector<1x2048x32xbf16>
    %get3A_11 = vector.shape_cast %get3A_10 : vector<1x2048x32xbf16> to vector<2048x32xbf16>
    %convert_element_type3A = arith.extf %get3A_11 : vector<2048x32xbf16> to vector<2048x32xf32>
    %get3A_12 = arith.constant 1 : index
    %get3A_13 = arith.constant 0 : index
    %get3A_14 = arith.constant 0 : index
    %get3A_15 = vector.load %arg2[%get3A_12, %get3A_13, %get3A_14] : memref<2x2048x32xbf16, #tpu.memory_space<vmem>>, vector<1x2048x32xbf16>
    %get3A_16 = vector.shape_cast %get3A_15 : vector<1x2048x32xbf16> to vector<2048x32xbf16>
    %convert_element_type3A_17 = arith.extf %get3A_16 : vector<2048x32xbf16> to vector<2048x32xf32>
    %add3A_18 = arith.addf %convert_element_type3A, %convert_element_type3A_17 : vector<2048x32xf32>
    %get3A_19 = arith.constant 0 : index
    %get3A_20 = arith.constant 0 : index
    %get3A_21 = vector.load %arg1[%get3A_19, %get3A_20] : memref<2048x32xf32, #tpu.memory_space<vmem>>, vector<2048x32xf32>
    %broadcast_in_dim3A = vector.shape_cast %add3A_6 : vector<2048xf32> to vector<2048x1xf32>
    %div3A = vector.broadcast %broadcast_in_dim3A : vector<2048x1xf32> to vector<2048x32xf32>
    %div3A_22 = arith.divf %add3A_18, %div3A : vector<2048x32xf32>
    %add3A_23 = arith.addf %get3A_21, %div3A_22 : vector<2048x32xf32>
    %get3A_24 = arith.constant 0 : index
    %get3A_25 = arith.constant 0 : index
    %get3A_26 = vector.load %arg4[%get3A_24, %get3A_25] : memref<1x32xf32, #tpu.memory_space<vmem>>, vector<1x32xf32>
    %add3A_27 = vector.broadcast %get3A_26 : vector<1x32xf32> to vector<2048x32xf32>
    %add3A_28 = arith.addf %add3A_23, %add3A_27 : vector<2048x32xf32>
    %max3A = arith.constant 0.000000e+00 : f32
    %max3A_29 = vector.broadcast %max3A : f32 to vector<2048x32xf32>
    %max3A_30 = arith.maximumf %add3A_28, %max3A_29 : vector<2048x32xf32>
    %get3A_31 = arith.constant 0 : index
    %get3A_32 = arith.constant 0 : index
    %get3A_33 = vector.load %arg5[%get3A_31, %get3A_32] : memref<1x32xf32, #tpu.memory_space<vmem>>, vector<1x32xf32>
    %mul3A = vector.broadcast %get3A_33 : vector<1x32xf32> to vector<2048x32xf32>
    %mul3A_34 = arith.mulf %max3A_30, %mul3A : vector<2048x32xf32>
    %reduce_sum3A = arith.constant dense<0.000000e+00> : vector<2048xf32>
    %reduce_sum3A_35 = vector.multi_reduction <add>, %mul3A_34, %reduce_sum3A [1] : vector<2048x32xf32> to vector<2048xf32>
    %broadcast_in_dim3A_36 = vector.shape_cast %reduce_sum3A_35 : vector<2048xf32> to vector<2048x1xf32>
    %get3A_37 = arith.constant 0 : index
    %get3A_38 = arith.constant 0 : index
    %get3A_39 = vector.load %arg6[%get3A_37, %get3A_38] : memref<1x1xf32, #tpu.memory_space<vmem>>, vector<1x1xf32>
    %add3A_40 = vector.broadcast %get3A_39 : vector<1x1xf32> to vector<2048x1xf32>
    %add3A_41 = arith.addf %broadcast_in_dim3A_36, %add3A_40 : vector<2048x1xf32>
    %logistic3A = arith.negf %add3A_41 : vector<2048x1xf32>
    %logistic3A_42 = math.exp %logistic3A : vector<2048x1xf32>
    %logistic3A_43 = arith.constant 1.000000e+00 : f32
    %logistic3A_44 = vector.broadcast %logistic3A_43 : f32 to vector<2048x1xf32>
    %logistic3A_45 = arith.addf %logistic3A_44, %logistic3A_42 : vector<2048x1xf32>
    %logistic3A_46 = arith.divf %logistic3A_44, %logistic3A_45 : vector<2048x1xf32>
    %swap3A = arith.constant 0 : index
    %swap3A_47 = arith.constant 0 : index
    %swap3A_48 = vector.load %arg7[%swap3A, %swap3A_47] : memref<2048x1xf32, #tpu.memory_space<vmem>>, vector<2048x1xf32>
    tpu.vector_store %arg7[%swap3A, %swap3A_47], %logistic3A_46 {strides = array<i32>} : memref<2048x1xf32, #tpu.memory_space<vmem>>, vector<2048x1xf32>,
    return
  }
  func.func @transform_0(%arg0: i32) -> (i32, i32) {
    %c0_i32 = arith.constant 0 : i32
    %c0_i32_0 = arith.constant 0 : i32
    return %arg0, %c0_i32 : i32, i32
  }
  func.func @transform_1(%arg0: i32) -> (i32, i32, i32) {
    %c0_i32 = arith.constant 0 : i32
    %c0_i32_0 = arith.constant 0 : i32
    %c0_i32_1 = arith.constant 0 : i32
    return %c0_i32, %arg0, %c0_i32_0 : i32, i32, i32
  }
  func.func @transform_2(%arg0: i32) -> (i32, i32) {
    %c0_i32 = arith.constant 0 : i32
    %c0_i32_0 = arith.constant 0 : i32
    return %arg0, %c0_i32 : i32, i32
  }
  func.func @transform_3(%arg0: i32) -> (i32, i32) {
    %c0_i32 = arith.constant 0 : i32
    %c0_i32_0 = arith.constant 0 : i32
    %c0_i32_1 = arith.constant 0 : i32
    return %c0_i32, %c0_i32_0 : i32, i32
  }
  func.func @transform_4(%arg0: i32) -> (i32, i32) {
    %c0_i32 = arith.constant 0 : i32
    %c0_i32_0 = arith.constant 0 : i32
    %c0_i32_1 = arith.constant 0 : i32
    return %c0_i32, %c0_i32_0 : i32, i32
  }
  func.func @transform_5(%arg0: i32) -> (i32, i32) {
    %c0_i32 = arith.constant 0 : i32
    %c0_i32_0 = arith.constant 0 : i32
    %c0_i32_1 = arith.constant 0 : i32
    return %c0_i32, %c0_i32_0 : i32, i32
  }
  func.func @transform_6(%arg0: i32) -> (i32, i32) {
    %c0_i32 = arith.constant 0 : i32
    %c0_i32_0 = arith.constant 0 : i32
    return %arg0, %c0_i32 : i32, i32
  }
}

</mosaic_0001>

<sc_bundles>
// kernel: kernel.11.cloned.1.call-start
scs
__scs_entry_jumppad:
0x0: {  	(pc) =	sbr.rel $0x88, $3  }
0x1: {  	(tag) =	ssettag $0x0;
	lr =	simm.s32 $0x1  }
0x2: {  	[smem:$0x3F99] =	sst lr;
	_ =	strace $0xD0000000  }
0x3: {  	_ = 	snop  }
0x4: {  	_ = 	snop  }
0x5: {  	_ = 	snop  }
0x6: {  	_ = 	snop  }
0x7: {  	_ = 	snop  }
__scs_overlays_trampoline_lowered:
0x8: {  	[smem:$0x3FA8] =	sst s0  }
0x9: {  	[smem:$0x3FA9] =	sst s1  }
0xa: {  	[smem:$0x3FAA] =	sst s2  }
0xb: {  	[smem:$0x3FAB] =	sst s3  }
0xc: {  	[smem:$0x3FAC] =	sst s4  }
0xd: {  	[smem:$0x3FAD] =	sst s5  }
0xe: {  	[smem:$0x3FAE] =	sst s6  }
0xf: {  	[smem:$0x3FAF] =	sst s7  }
0x10: {  	[smem:$0x3FB0] =	sst s8  }
0x11: {  	[smem:$0x3FB1] =	sst s9;
	s0 =	simm.s32 @!p0 $0x0  }
0x12: {  	s1 =	sld [smem:$0x3F97];
	s0 =	simm.s32 @p0 $0x1  }
0x13: {  	[smem:$0x3FB2] =	sst s0;
	s0 =	simm.s32 @!p1 $0x0  }
0x14: {  	s2 =	sld [smem:$0x3F96];
	s0 =	simm.s32 @p1 $0x1  }
0x15: {  	[smem:$0x3FB3] =	sst s0;
	s0 =	simm.s32 @!p2 $0x0  }
0x16: {  	s3 =	sld [smem:$0x3FDB];
	s0 =	simm.s32 @p2 $0x1  }
0x17: {  	s4 =	simm.s32 $0x1BF5;
	[smem:$0x3FB5] =	sst s0  }
0x18: {  	s0 =	sld [smem:$0x3F98];
	_ =	swait.ge [sflag:s4], $0x0  }
0x19: {  	s7 =	sld [smem:$0x3F99]  }
0x1a: {  	s8 =	sadd.s32 $0xFFFFE003, lr  }
0x1b: {  	s9 =	sadd.s32 $0xFFFFFEF7, lr;
	s5 =	simm.s32 $0xFFFFFFFF;
	p2 =	slt.u32 s8, $0xFFFFF086  }
0x1c: {  	p1 =	slt.u32 s9, $0xF7A;
	s5 =	simm.s32 @!p2 $0x0  }
0x1d: {  	s5 =	simm.s32 @p1 $0x1;
	p0 =	seq.s32 s7, s2  }
0x1e: {  	s7 =	smul.u32 @!p0 $0xF7A, s2;
	p2 =	seq.s32 @!p0 s5, $0x0  }
0x1f: {  	s9 =	smul.u32 $0xF7A, s1;
	s8 =	simm.s32 @!p0 $0x1BF5;
	p2 =	por !p2, p0  }
0x20: {  	[sflag:s8] =	ssyncset.s32 @!p0 $0xFFFFF086;
	s6 =	sadd.s32 @!p0 s3, s7;
	s7 =	simm.s32 @!p0 $0x108  }
0x21: {  	s3 =	sadd.s32 s3, s9;
	s6 =	sadd.s32 @!p0 $0x88, s6;
	s7 =	simm.s32 @p2 $0x1082  }
0x22: {  	[simem:s7], [sflag:s8] =	dma.local @!p0 [hbm:s6], $0xF7A  }
0x23: {  	s9 =	sor.u32 $0xD0000000, s2;
	s6 =	simm.s32 $0x108;
	_ =	swait.ge @!p0 [sflag:s8], $0x0  }
0x24: {  	s3 =	sadd.s32 $0x88, s3;
	s6 =	simm.s32 @!p1 $0x1082;
	[sflag:s4] =	ssyncset.s32 $0xFFFFF086  }
0x25: {  	[simem:s6], [sflag:s4] =	dma.local [hbm:s3], $0xF7A  }
0x26: {  	[smem:$0x3F99] =	sst s1;
	(tag) =	ssettag s2;
	_ =	strace s9  }
0x27: {  	s1 =	sld [smem:$0x3FA9]  }
0x28: {  	s2 =	sld [smem:$0x3FAA]  }
0x29: {  	s4 =	sld [smem:$0x3FAC]  }
0x2a: {  	p0 =	seq.s32 s5, $0x0;
	s5 =	sld [smem:$0x3FAD]  }
0x2b: {  	s6 =	sld [smem:$0x3FAE]  }
0x2c: {  	s7 =	sld [smem:$0x3FAF]  }
0x2d: {  	s3 =	simm.s32 $0x108;
	s8 =	sld [smem:$0x3FB0]  }
0x2e: {  	s3 =	simm.s32 @!p0 $0x1082;
	s9 =	sld [smem:$0x3FB1]  }
0x2f: {  	lr =	sadd.s32 s0, s3;
	s0 =	sld [smem:$0x3FA8]  }
0x30: {  	s3 =	sld [smem:$0x3FAB]  }
0x31: {  	[smem:$0x3FB4] =	sst s10  }
0x32: {  	s10 =	sld [smem:$0x3FB2];
	_ =	sdelay $0x3  }
0x33: {  	p0 =	seq.s32 s10, $0x1;
	s10 =	sld [smem:$0x3FB4];
	_ =	sdelay $0x3  }
0x34: {  	[smem:$0x3FB4] =	sst s10  }
0x35: {  	s10 =	sld [smem:$0x3FB3];
	_ =	sdelay $0x3  }
0x36: {  	p1 =	seq.s32 s10, $0x1;
	s10 =	sld [smem:$0x3FB4];
	_ =	sdelay $0x3  }
0x37: {  	[smem:$0x3FB4] =	sst s10  }
0x38: {  	s10 =	sld [smem:$0x3FB5]  }
0x39: {  	_ = 	snop;
	(pc) =	sbr.ind lr, $3  }
0x3a: {  	_ = 	snop  }
0x3b: {  	_ = 	snop  }
0x3c: {  	p2 =	seq.s32 s10, $0x1;
	s10 =	sld [smem:$0x3FB4]  }
0x3d: {  	_ =	shalt  }
0x3e: {  	_ =	shalt  }
0x3f: {  	_ =	shalt  }
0x40: {  	_ =	shalt  }
0x41: {  	_ =	shalt  }
0x42: {  	_ =	shalt  }
0x43: {  	_ =	shalt  }
0x44: {  	_ =	shalt  }
0x45: {  	_ =	shalt  }
0x46: {  	_ =	shalt  }
0x47: {  	_ =	shalt  }
0x48: {  	_ =	shalt  }
0x49: {  	_ =	shalt  }
0x4a: {  	_ =	shalt  }
0x4b: {  	_ =	shalt  }
0x4c: {  	_ =	shalt  }
0x4d: {  	_ =	shalt  }
0x4e: {  	_ =	shalt  }
0x4f: {  	_ =	shalt  }
0x50: {  	_ =	shalt  }
0x51: {  	_ =	shalt  }
0x52: {  	_ =	shalt  }
0x53: {  	_ =	shalt  }
0x54: {  	_ =	shalt  }
0x55: {  	_ =	shalt  }
0x56: {  	_ =	shalt  }
0x57: {  	_ =	shalt  }
0x58: {  	_ =	shalt  }
0x59: {  	_ =	shalt  }
0x5a: {  	_ =	shalt  }
0x5b: {  	_ =	shalt  }
0x5c: {  	_ =	shalt  }
0x5d: {  	_ =	shalt  }
0x5e: {  	_ =	shalt  }
0x5f: {  	_ =	shalt  }
0x60: {  	_ =	shalt  }
0x61: {  	_ =	shalt  }
0x62: {  	_ =	shalt  }
0x63: {  	_ =	shalt  }
0x64: {  	_ =	shalt  }
0x65: {  	_ =	shalt  }
0x66: {  	_ =	shalt  }
0x67: {  	_ =	shalt  }
0x68: {  	_ =	shalt  }
0x69: {  	_ =	shalt  }
0x6a: {  	_ =	shalt  }
0x6b: {  	_ =	shalt  }
0x6c: {  	_ =	shalt  }
0x6d: {  	_ =	shalt  }
0x6e: {  	_ =	shalt  }
0x6f: {  	_ =	shalt  }
0x70: {  	_ =	shalt  }
0x71: {  	_ =	shalt  }
0x72: {  	_ =	shalt  }
0x73: {  	_ =	shalt  }
0x74: {  	_ =	shalt  }
0x75: {  	_ =	shalt  }
0x76: {  	_ =	shalt  }
0x77: {  	_ =	shalt  }
0x78: {  	_ =	shalt  }
0x79: {  	_ =	shalt  }
0x7a: {  	_ =	shalt  }
0x7b: {  	_ =	shalt  }
0x7c: {  	_ =	shalt  }
0x7d: {  	_ =	shalt  }
0x7e: {  	_ =	shalt  }
0x7f: {  	_ =	shalt  }
0x80: {  	_ =	shalt  }
0x81: {  	_ =	shalt  }
0x82: {  	_ =	shalt  }
0x83: {  	_ =	shalt  }
0x84: {  	_ =	shalt  }
0x85: {  	_ =	shalt  }
0x86: {  	_ =	shalt  }
0x87: {  	_ =	shalt  }
.Lfunc_end0:
.L_simem_size_0:
called_computation.1_lowered:
.L_overlay_start_0:
0x88: {  	s2 =	sld [smem:$0x3FD9]  }
0x89: {  	s3 =	sld [smem:$0x3FFE];
	_ =	sdelay $0x1  }
0x8a: {  	s1 =	srdreg.scid  }
0x8b: {  	s0 =	sand.u32 $0x1, s1  }
0x8c: {  	s16 =	sshll.u32 s0, $0xA;
	s2 =	sadd.s32 s3, s2  }
0x8d: {  	s2 =	sadd.s32 s2, s16  }
0x8e: {  	[smem:$0x3FC0] =	sst s2  }
0x8f: {  	_ = 	snop  }
0x90: {  	(tm) =	ssettm $0x1  }
0x91: {  	s17 =	sld [smem:$0x3FFB];
	_ =	sdelay $0x3  }
0x92: {  	_ =	strace s17  }
0x93: {  	s2 =	sld [smem:$0x3FFC];
	_ =	sdelay $0x3  }
0x94: {  	_ =	strace s2  }
0x95: {  	s2 =	sld [smem:$0x3FFD];
	_ =	sdelay $0x3  }
0x96: {  	_ =	strace s2  }
0x97: {  	_ =	strace $0x8FFFFFFF  }
0x98: {  	s18 =	sld [smem:$0x3FDB];
	_ =	sdelay $0x1  }
0x99: {  	s19 =	simm.s32 $_scs_section_size  }
0x9a: {  	s4 =	simm.s32 $_size__tile_overlayer_lowered;
	s5 =	simm.s32 $_tile_overlayer_lowered  }
0x9b: {  	s22 =	simm.s32 $0x1BFF;
	s21 =	sshll.u32 s5, $0x1;
	s2 =	sadd.s32 s19, s18  }
0x9c: {  	s6 =	simm.s32 $0x0;
	s20 =	sshll.u32 s4, $0x1;
	s4 =	sadd.s32 s21, s2  }
0x9d: {  	[timem:s6], [sflag:s22] =	dma.local [hbm:s4], s20  }
0x9e: {  	_ =	swait.ge [sflag:s22], s20  }
0x9f: {  	s3 =	ssub.s32 $0x0, s20;
	[sflag:s22] =	ssyncset.done $0x0  }
0xa0: {  	[sflag:s22] =	ssyncadd.s32 s3;
	_ =	sdelay $0x1  }
0xa1: {  	s23 =	simm.s32 $0x1B8B  }
0xa2: {  	_ =	swait.ge [sflag:s23], $0x1  }
0xa3: {  	[sflag:s23] =	ssyncset.done $0x0  }
0xa4: {  	s25 =	simm.s32 $0x1B8E;
	s24 =	sld [smem:$0x3FFE];
	[sflag:s23] =	ssyncadd.s32 $0xFFFFFFFF  }
0xa5: {  	s26 =	simm.s32 $execute0_lowered;
	[smem:$0x3FD2] =	sst s25  }
0xa6: {  	s4 =	sshll.u32 s26, $0x1;
	_ =	strace $0x80000046;
	[dreg:$0x1] =	wrdreg $0xFFFFFFFF  }
0xa7: {  	s28 =	simm.s32 $_size_execute0_lowered;
	s2 =	sadd.s32 s2, s4;
	[dreg:$0x0] =	wrdreg $0x0  }
0xa8: {  	s4 =	sshll.u32 s28, $0x1;
	[dreg:$0x2] =	wrdreg s2  }
0xa9: {  	[dreg:$0x3] =	wrdreg s4  }
0xaa: {  	[dreg:$0x4] =	wrdreg $0xC0  }
0xab: {  	_ =	task [dreg:s6], $0x5FFFF  }
0xac: {  	[dreg:$0x1] =	wrdreg $0xFFFFFFFF  }
0xad: {  	[dreg:$0x0] =	wrdreg $0x60  }
0xae: {  	[dreg:$0x2] =	wrdreg s24  }
0xaf: {  	[dreg:$0x3] =	wrdreg $0xE8000  }
0xb0: {  	[dreg:$0x4] =	wrdreg $0xA  }
0xb1: {  	_ =	task.clear_ibuf [dreg:s6], $0x5FFFF;
	_ =	strace $0x90000046  }
0xb2: {  	s29 =	simm.s32 $0xA;
	_ =	strace $0x80000048  }
0xb3: {  	_ =	swait.ge [sflag:s29], $0x1  }
0xb4: {  	[sflag:s29] =	ssyncadd.s32 $0xFFFFFFFF  }
0xb5: {  	_ =	strace $0x90000048  }
0xb6: {  	_ =	sfence  }
0xb7: {  	s30 =	sld [smem:$0x0];
	_ =	sdelay $0x2  }
0xb8: {  	s31 =	sshll.u32 s1, $0xD;
	s1 =	sshrl.u32 s1, $0x2  }
0xb9: {  	s3 =	sand.u32 $0x4000, s31;
	s1 =	sadd.s32 s1, s30  }
0xba: {  	s0 =	sor.u32 s3, s0;
	s1 =	sshll.u32 s1, $0x11  }
0xbb: {  	s0 =	sor.u32 s1, s0  }
0xbc: {  	s0 =	sadd.s32 $0x8F2B, s0  }
0xbd: {  	[sflag:s0] =	ssyncadd.remote.s32 $0x1  }
0xbe: {  	_ =	sfence.sel $0xFFFF  }
0xbf: {  	[dreg:$0x0] =	wrdreg $0xFFFFFFFF;
	(pc) =	sbr.abs _section_cstart, $3  }
0xc0: {  	[dreg:$0x1] =	wrdreg $0xFFFFFFFF  }
0xc1: {  	_ =	task.clear_ibuf [dreg:s6], $0x2FFFF;
	_ =	strace $0x9FFFFFFF  }
0xc2: {  	(tm) =	ssettm $0x7FFFFFFF  }
0xc3: {  	_ =	shalt  }
tec
execute0_lowered:
.L_overlay_start_1:
0x0: {  	(tag) =	ssettag $0x1  }
0x1: {  	s1 =	srdreg.scid;
	s7 =	rddreg [dreg:$0x0]  }
0x2: {  	s0 =	stileid.u32;
	s2 =	rddreg [dreg:$0x1]  }
0x3: {  	s3 =	simm.s32 $0x0;
	s13 =	simm.s32 $0x80;
	s14 =	simm.s32 $0x2800  }
0x4: {  	s15 =	simm.s32 $0x3800;
	s16 =	simm.s32 $0x100;
	s17 =	simm.s32 $0x4800  }
0x5: {  	s18 =	simm.s32 $0x180;
	s19 =	simm.s32 $0x5800;
	s20 =	simm.s32 $0x200  }
0x6: {  	s21 =	simm.s32 $0x6800;
	s22 =	simm.s32 $0x280;
	s23 =	simm.s32 $0x7800  }
0x7: {  	s24 =	simm.s32 $0x1;
	s25 =	simm.s32 $0x2;
	s26 =	simm.s32 $0x0  }
0x8: {  	s6 =	sand.u32 $0x1, s1;
	s29 =	sshll.u32 s0, $0x1;
	s8 =	smul.u32 $0xA000, s0  }
0x9: {  	[smem:$0x7FF] =	sst s3;
	s4 =	sadd.s32 $0x1800, s7;
	s31 =	sshll.u32 s0, $0x6  }
0xa: {  	s1 =	sor.u32 s6, s29;
	s9 =	smul.u32 $0xA0000, s6;
	s6 =	ssub.s32 $0x2, s6  }
0xb: {  	_ =	strace $0x80000047;
	s5 =	smul.u32 $0x280, s1;
	s30 =	sshrl.u32 s6, $0x1  }
0xc: {  	s9 =	sadd.s32 s8, s9;
	s8 =	sshrl.u32 s8, $0x1;
	s11 =	ssub.s32 s6, s30  }
0xd: {  	s6 =	sor.u32 $0x1C03, s31;
	s10 =	sadd.s32 s5, s7;
	s9 =	sshrl.u32 s9, $0x4  }
0xe: {  	s5 =	sadd.s32 $0xB800, s7;
	s12 =	sadd.s32 s8, s2;
	s9 =	sadd.s32 s9, s7  }
0xf: {  	s7 =	sadd.s32 $0x11200, s10;
	s8 =	sadd.s32 $0xC200, s10;
	s10 =	smax.u32 s11, $0x1  }
0x10: {  	s11 =	sshrl.u32 s12, $0x3;
	s12 =	simm.s32 $0x3;
	s9 =	sadd.s32 $0x16200, s9  }
.LBB2_1:
0x11: {  	[spmem:s11], [sflag:s6] =	dma.local [hbm:s5], $0xA00  }
0x12: {  	_ =	swait.ge [sflag:s12], $0xA00  }
0x13: {  	[sflag:s12] =	ssyncset.done $0x0  }
0x14: {  	[sflag:s12] =	ssyncadd.s32 $0xFFFFF600  }
0x15: {  	[tilespmem:s3], [sflag:$0x3] =	stream.linear.gather [hbm4b:s7+s3], $0x1400, $0x38;
	[tilespmem:$0x13800] =	vst v63  }
0x16: {  	_ =	swait.ge [sflag:s12], $0x1400  }
0x17: {  	[sflag:s12] =	ssyncset.done $0x0  }
0x18: {  	s28 =	simm.s32 $0x1400;
	[sflag:s12] =	ssyncadd.s32 $0xFFFFEC00  }
0x19: {  	[tilespmem:s28], [sflag:$0x3] =	stream.linear.gather [hbm4b:s8+s3], $0x1400, $0x38;
	[tilespmem:$0x13800] =	vst v63  }
0x1a: {  	_ =	swait.ge [sflag:s12], $0x1400  }
0x1b: {  	[sflag:s12] =	ssyncset.done $0x0  }
0x1c: {  	[sflag:s12] =	ssyncadd.s32 $0xFFFFEC00  }
0x1d: {  	[bflag:$0x0] =	sbarrier.arrive $0xFFFF  }
0x1e: {  	[tilespmem:s14], [sflag:$0x1] =	stream.indirect.gather [hbm4b:s4+s13], $0x20, s3, s13, $0xb8;
	[tilespmem:$0x13800] =	vst v63  }
0x1f: {  	_ = 	snop  }
0x20: {  	[tilespmem:s15], [sflag:$0x1] =	stream.indirect.gather [hbm4b:s4+s13], $0x20, s13, s13, $0xb8;
	[tilespmem:$0x13800] =	vst v63  }
0x21: {  	_ = 	snop  }
0x22: {  	[tilespmem:s17], [sflag:$0x1] =	stream.indirect.gather [hbm4b:s4+s13], $0x20, s16, s13, $0xb8;
	[tilespmem:$0x13800] =	vst v63  }
0x23: {  	_ = 	snop  }
0x24: {  	[tilespmem:s19], [sflag:$0x1] =	stream.indirect.gather [hbm4b:s4+s13], $0x20, s18, s13, $0xb8;
	[tilespmem:$0x13800] =	vst v63  }
0x25: {  	_ = 	snop  }
0x26: {  	[tilespmem:s21], [sflag:$0x1] =	stream.indirect.gather [hbm4b:s4+s13], $0x20, s20, s13, $0xb8;
	[tilespmem:$0x13800] =	vst v63  }
0x27: {  	s29 =	simm.s32 $0x300;
	s30 =	simm.s32 $0x0  }
0x28: {  	[tilespmem:s23], [sflag:$0x1] =	stream.indirect.gather [hbm4b:s4+s13], $0x20, s22, s13, $0xb8;
	[tilespmem:$0x13800] =	vst v63  }
.LBB2_2:
0x29: {  	s31 =	smul.u32 $0xAB, s30;
	_ =	sdelay $0x1  }
0x2a: {  	s31 =	sshrl.u32 s31, $0xB  }
0x2b: {  	s31 =	sand.u32 $0x1F, s31  }
0x2c: {  	s31 =	smul.u32 $0xC, s31;
	_ =	sdelay $0x1  }
0x2d: {  	s31 =	ssub.s32 s30, s31  }
0x2e: {  	_ =	swait.ge [sflag:s24], $0x1000;
	s31 =	sand.u32 $0xFF, s31  }
0x2f: {  	[sflag:s24] =	ssyncset.done $0x0;
	s31 =	sshll.u32 s31, $0xC  }
0x30: {  	p0 =	slt.u32 s30, $0x6;
	[sflag:s24] =	ssyncadd.s32 $0xFFFFF000;
	s31 =	sadd.s32 $0x2800, s31  }
0x31: {  	[spmem:s2] =	stream.indirect.scatter.add.bf16 [tilespmem:s31], [sflag:$0x2], $0x20, s28, s13, $0xb8;
	[tilespmem:$0x13800] =	vst v63  }
0x32: {  	s31 =	simm.s32 @!p0 $0x2  }
0x33: {  	p1 =	sgt.u32 @!p0 s30, $0x21;
	_ =	swait.ge @!p0 [sflag:s31], $0x1000  }
0x34: {  	p1 =	por p0, !p1;
	[sflag:s31] =	ssyncset.done @!p0 $0x0  }
0x35: {  	[sflag:s31] =	ssyncadd.s32 @!p0 $0xFFFFF000;
	s31 =	sadd.s32 @p1 $0x6, s30  }
0x36: {  	s1 =	smul.u32 @p1 $0xAB, s31;
	_ =	sdelay $0x1  }
0x37: {  	s1 =	sshrl.u32 @p1 s1, $0xB  }
0x38: {  	s1 =	sand.u32 @p1 $0x1F, s1  }
0x39: {  	s1 =	smul.u32 @p1 $0xC, s1  }
0x3a: {  	s30 =	sadd.s32 $0x1, s30  }
0x3b: {  	p0 =	sne.s32 s30, $0x28;
	s1 =	ssub.s32 @p1 s31, s1  }
.Ltmp0:
0x3c: {  	s1 =	sand.u32 @p1 $0xFF, s1;
	(pc) =	sbr.rel @p0 .LBB2_2-.Ltmp0, $4  }
0x3d: {  	s1 =	sshll.u32 @p1 s1, $0xC  }
0x3e: {  	s1 =	sadd.s32 @p1 $0x2800, s1  }
0x3f: {  	[tilespmem:s1], [sflag:$0x1] =	stream.indirect.gather @p1 [hbm4b:s4+s13], $0x20, s29, s13, $0xb8;
	[tilespmem:$0x13800] =	vst v63  }
0x40: {  	s28 =	sadd.s32 $0x80, s28;
	s29 =	sadd.s32 $0x80, s29  }
0x41: {  	_ =	swait.ge [sflag:s25], $0x1000  }
0x42: {  	[sflag:s25] =	ssyncset.done $0x0  }
0x43: {  	[sflag:s25] =	ssyncadd.s32 $0xFFFFF000  }
0x44: {  	_ =	swait.ge [sflag:s25], $0x1000  }
0x45: {  	[sflag:s25] =	ssyncset.done $0x0  }
0x46: {  	[sflag:s25] =	ssyncadd.s32 $0xFFFFF000  }
0x47: {  	_ =	swait.ge [sflag:s25], $0x1000  }
0x48: {  	[sflag:s25] =	ssyncset.done $0x0  }
0x49: {  	[sflag:s25] =	ssyncadd.s32 $0xFFFFF000  }
0x4a: {  	_ =	swait.ge [sflag:s25], $0x1000  }
0x4b: {  	[sflag:s25] =	ssyncset.done $0x0  }
0x4c: {  	[sflag:s25] =	ssyncadd.s32 $0xFFFFF000  }
0x4d: {  	_ =	swait.ge [sflag:s25], $0x1000  }
0x4e: {  	[sflag:s25] =	ssyncset.done $0x0  }
0x4f: {  	[sflag:s25] =	ssyncadd.s32 $0xFFFFF000  }
0x50: {  	_ =	swait.ge [sflag:s25], $0x1000  }
0x51: {  	s26 =	sadd.s32 $0x1, s26;
	[sflag:s25] =	ssyncset.done $0x0  }
0x52: {  	p0 =	sne.s32 s26, s10;
	[sflag:s25] =	ssyncadd.s32 $0xFFFFF000  }
.Ltmp1:
0x53: {  	[bflag:$0x0] =	sbarrier.arrive $0xFFFF;
	(pc) =	sbr.rel @p0 .LBB2_1-.Ltmp1, $4  }
0x54: {  	[hbm:s9], [sflag:s6] =	dma.local [spmem:s11], $0xA00  }
0x55: {  	_ =	swait.ge [sflag:s12], $0xA00  }
0x56: {  	[sflag:s12] =	ssyncset.done $0x0  }
0x57: {  	[sflag:s12] =	ssyncadd.s32 $0xFFFFF600  }
0x58: {  	_ =	sfence.sel $0x180000  }
0x59: {  	[bflag:$0x0] =	sbarrier.arrive $0xFFFF  }
0x5a: {  	_ =	strace $0x90000047  }
0x5b: {  	[bflag:$0x2] =	sbarrier.arrive $0xFFFF  }
0x5c: {  	p0 =	sne.s32 s0, $0x0;
	s0 =	rddreg [dreg:$0x2]  }
0x5d: {  	s0 =	sadd.s32 @!p0 $0x100000, s0  }
0x5e: {  	[sflag:s0] =	ssyncadd.tile.s32 @!p0 $0x1;
	_ =	shalt  }
.Lfunc_end2:
_tile_overlayer_lowered:
.L_overlay_start_2:
0x5f: {  	(tag) =	ssettag $0x2  }
0x60: {  	s0 =	rddreg [dreg:$0x0];
	s2 =	stileid.u32  }
0x61: {  	s1 =	rddreg [dreg:$0x1];
	p0 =	sne.s32 s2, $0x0  }
0x62: {  	s3 =	rddreg [dreg:$0x2];
	[bflag:$0x3] =	sbarrier.arrive $0xFFFF;
	s2 =	simm.s32 @!p0 $0x1C03  }
0x63: {  	[timem:s3], [sflag:s2] =	dma.local @!p0 [hbm:s0], s1  }
0x64: {  	s0 =	simm.s32 @!p0 $0x3  }
0x65: {  	_ =	swait.ge @!p0 [sflag:s0], s1  }
0x66: {  	s1 =	ssub.s32 @!p0 $0x0, s1;
	[sflag:s0] =	ssyncset.done @!p0 $0x0  }
0x67: {  	[sflag:s0] =	ssyncadd.s32 @!p0 s1  }
0x68: {  	[bflag:$0x3] =	sbarrier.arrive $0xFFFF  }
0x69: {  	_ =	shalt  }

// kernel: kernel.14.cloned.1.call-start
scs
__scs_entry_jumppad:
0x0: {  	(pc) =	sbr.rel $0x88, $3  }
0x1: {  	(tag) =	ssettag $0x0;
	lr =	simm.s32 $0x1  }
0x2: {  	[smem:$0x3F99] =	sst lr;
	_ =	strace $0xD0000000  }
0x3: {  	_ = 	snop  }
0x4: {  	_ = 	snop  }
0x5: {  	_ = 	snop  }
0x6: {  	_ = 	snop  }
0x7: {  	_ = 	snop  }
__scs_overlays_trampoline_lowered:
0x8: {  	[smem:$0x3FA8] =	sst s0  }
0x9: {  	[smem:$0x3FA9] =	sst s1  }
0xa: {  	[smem:$0x3FAA] =	sst s2  }
0xb: {  	[smem:$0x3FAB] =	sst s3  }
0xc: {  	[smem:$0x3FAC] =	sst s4  }
0xd: {  	[smem:$0x3FAD] =	sst s5  }
0xe: {  	[smem:$0x3FAE] =	sst s6  }
0xf: {  	[smem:$0x3FAF] =	sst s7  }
0x10: {  	[smem:$0x3FB0] =	sst s8  }
0x11: {  	[smem:$0x3FB1] =	sst s9;
	s0 =	simm.s32 @!p0 $0x0  }
0x12: {  	s1 =	sld [smem:$0x3F97];
	s0 =	simm.s32 @p0 $0x1  }
0x13: {  	[smem:$0x3FB2] =	sst s0;
	s0 =	simm.s32 @!p1 $0x0  }
0x14: {  	s2 =	sld [smem:$0x3F96];
	s0 =	simm.s32 @p1 $0x1  }
0x15: {  	[smem:$0x3FB3] =	sst s0;
	s0 =	simm.s32 @!p2 $0x0  }
0x16: {  	s3 =	sld [smem:$0x3FDB];
	s0 =	simm.s32 @p2 $0x1  }
0x17: {  	s4 =	simm.s32 $0x1BF5;
	[smem:$0x3FB5] =	sst s0  }
0x18: {  	s0 =	sld [smem:$0x3F98];
	_ =	swait.ge [sflag:s4], $0x0  }
0x19: {  	s7 =	sld [smem:$0x3F99]  }
0x1a: {  	s8 =	sadd.s32 $0xFFFFE003, lr  }
0x1b: {  	s9 =	sadd.s32 $0xFFFFFEF7, lr;
	s5 =	simm.s32 $0xFFFFFFFF;
	p2 =	slt.u32 s8, $0xFFFFF086  }
0x1c: {  	p1 =	slt.u32 s9, $0xF7A;
	s5 =	simm.s32 @!p2 $0x0  }
0x1d: {  	s5 =	simm.s32 @p1 $0x1;
	p0 =	seq.s32 s7, s2  }
0x1e: {  	s7 =	smul.u32 @!p0 $0xF7A, s2;
	p2 =	seq.s32 @!p0 s5, $0x0  }
0x1f: {  	s9 =	smul.u32 $0xF7A, s1;
	s8 =	simm.s32 @!p0 $0x1BF5;
	p2 =	por !p2, p0  }
0x20: {  	[sflag:s8] =	ssyncset.s32 @!p0 $0xFFFFF086;
	s6 =	sadd.s32 @!p0 s3, s7;
	s7 =	simm.s32 @!p0 $0x108  }
0x21: {  	s3 =	sadd.s32 s3, s9;
	s6 =	sadd.s32 @!p0 $0x88, s6;
	s7 =	simm.s32 @p2 $0x1082  }
0x22: {  	[simem:s7], [sflag:s8] =	dma.local @!p0 [hbm:s6], $0xF7A  }
0x23: {  	s9 =	sor.u32 $0xD0000000, s2;
	s6 =	simm.s32 $0x108;
	_ =	swait.ge @!p0 [sflag:s8], $0x0  }
0x24: {  	s3 =	sadd.s32 $0x88, s3;
	s6 =	simm.s32 @!p1 $0x1082;
	[sflag:s4] =	ssyncset.s32 $0xFFFFF086  }
0x25: {  	[simem:s6], [sflag:s4] =	dma.local [hbm:s3], $0xF7A  }
0x26: {  	[smem:$0x3F99] =	sst s1;
	(tag) =	ssettag s2;
	_ =	strace s9  }
0x27: {  	s1 =	sld [smem:$0x3FA9]  }
0x28: {  	s2 =	sld [smem:$0x3FAA]  }
0x29: {  	s4 =	sld [smem:$0x3FAC]  }
0x2a: {  	p0 =	seq.s32 s5, $0x0;
	s5 =	sld [smem:$0x3FAD]  }
0x2b: {  	s6 =	sld [smem:$0x3FAE]  }
0x2c: {  	s7 =	sld [smem:$0x3FAF]  }
0x2d: {  	s3 =	simm.s32 $0x108;
	s8 =	sld [smem:$0x3FB0]  }
0x2e: {  	s3 =	simm.s32 @!p0 $0x1082;
	s9 =	sld [smem:$0x3FB1]  }
0x2f: {  	lr =	sadd.s32 s0, s3;
	s0 =	sld [smem:$0x3FA8]  }
0x30: {  	s3 =	sld [smem:$0x3FAB]  }
0x31: {  	[smem:$0x3FB4] =	sst s10  }
0x32: {  	s10 =	sld [smem:$0x3FB2];
	_ =	sdelay $0x3  }
0x33: {  	p0 =	seq.s32 s10, $0x1;
	s10 =	sld [smem:$0x3FB4];
	_ =	sdelay $0x3  }
0x34: {  	[smem:$0x3FB4] =	sst s10  }
0x35: {  	s10 =	sld [smem:$0x3FB3];
	_ =	sdelay $0x3  }
0x36: {  	p1 =	seq.s32 s10, $0x1;
	s10 =	sld [smem:$0x3FB4];
	_ =	sdelay $0x3  }
0x37: {  	[smem:$0x3FB4] =	sst s10  }
0x38: {  	s10 =	sld [smem:$0x3FB5]  }
0x39: {  	_ = 	snop;
	(pc) =	sbr.ind lr, $3  }
0x3a: {  	_ = 	snop  }
0x3b: {  	_ = 	snop  }
0x3c: {  	p2 =	seq.s32 s10, $0x1;
	s10 =	sld [smem:$0x3FB4]  }
0x3d: {  	_ =	shalt  }
0x3e: {  	_ =	shalt  }
0x3f: {  	_ =	shalt  }
0x40: {  	_ =	shalt  }
0x41: {  	_ =	shalt  }
0x42: {  	_ =	shalt  }
0x43: {  	_ =	shalt  }
0x44: {  	_ =	shalt  }
0x45: {  	_ =	shalt  }
0x46: {  	_ =	shalt  }
0x47: {  	_ =	shalt  }
0x48: {  	_ =	shalt  }
0x49: {  	_ =	shalt  }
0x4a: {  	_ =	shalt  }
0x4b: {  	_ =	shalt  }
0x4c: {  	_ =	shalt  }
0x4d: {  	_ =	shalt  }
0x4e: {  	_ =	shalt  }
0x4f: {  	_ =	shalt  }
0x50: {  	_ =	shalt  }
0x51: {  	_ =	shalt  }
0x52: {  	_ =	shalt  }
0x53: {  	_ =	shalt  }
0x54: {  	_ =	shalt  }
0x55: {  	_ =	shalt  }
0x56: {  	_ =	shalt  }
0x57: {  	_ =	shalt  }
0x58: {  	_ =	shalt  }
0x59: {  	_ =	shalt  }
0x5a: {  	_ =	shalt  }
0x5b: {  	_ =	shalt  }
0x5c: {  	_ =	shalt  }
0x5d: {  	_ =	shalt  }
0x5e: {  	_ =	shalt  }
0x5f: {  	_ =	shalt  }
0x60: {  	_ =	shalt  }
0x61: {  	_ =	shalt  }
0x62: {  	_ =	shalt  }
0x63: {  	_ =	shalt  }
0x64: {  	_ =	shalt  }
0x65: {  	_ =	shalt  }
0x66: {  	_ =	shalt  }
0x67: {  	_ =	shalt  }
0x68: {  	_ =	shalt  }
0x69: {  	_ =	shalt  }
0x6a: {  	_ =	shalt  }
0x6b: {  	_ =	shalt  }
0x6c: {  	_ =	shalt  }
0x6d: {  	_ =	shalt  }
0x6e: {  	_ =	shalt  }
0x6f: {  	_ =	shalt  }
0x70: {  	_ =	shalt  }
0x71: {  	_ =	shalt  }
0x72: {  	_ =	shalt  }
0x73: {  	_ =	shalt  }
0x74: {  	_ =	shalt  }
0x75: {  	_ =	shalt  }
0x76: {  	_ =	shalt  }
0x77: {  	_ =	shalt  }
0x78: {  	_ =	shalt  }
0x79: {  	_ =	shalt  }
0x7a: {  	_ =	shalt  }
0x7b: {  	_ =	shalt  }
0x7c: {  	_ =	shalt  }
0x7d: {  	_ =	shalt  }
0x7e: {  	_ =	shalt  }
0x7f: {  	_ =	shalt  }
0x80: {  	_ =	shalt  }
0x81: {  	_ =	shalt  }
0x82: {  	_ =	shalt  }
0x83: {  	_ =	shalt  }
0x84: {  	_ =	shalt  }
0x85: {  	_ =	shalt  }
0x86: {  	_ =	shalt  }
0x87: {  	_ =	shalt  }
.Lfunc_end0:
.L_simem_size_0:
called_computation.2_lowered:
.L_overlay_start_0:
0x88: {  	s2 =	sld [smem:$0x3FD9]  }
0x89: {  	s3 =	sld [smem:$0x3FFE];
	_ =	sdelay $0x1  }
0x8a: {  	s1 =	srdreg.scid  }
0x8b: {  	s0 =	sand.u32 $0x1, s1  }
0x8c: {  	s17 =	sshll.u32 s0, $0xA;
	s2 =	sadd.s32 s3, s2  }
0x8d: {  	s2 =	sadd.s32 s2, s17  }
0x8e: {  	[smem:$0x3FC0] =	sst s2  }
0x8f: {  	_ = 	snop  }
0x90: {  	s2 =	sld [smem:$0x3FD0];
	(tm) =	ssettm $0x1  }
0x91: {  	s18 =	sld [smem:$0x3FFB];
	_ =	sdelay $0x3  }
0x92: {  	_ =	strace s18  }
0x93: {  	s3 =	sld [smem:$0x3FFC];
	_ =	sdelay $0x3  }
0x94: {  	_ =	strace s3  }
0x95: {  	s3 =	sld [smem:$0x3FFD];
	_ =	sdelay $0x3  }
0x96: {  	_ =	strace s3  }
0x97: {  	_ =	strace $0x8FFFFFFF  }
0x98: {  	s19 =	sld [smem:$0x3FDB];
	_ =	sdelay $0x1  }
0x99: {  	s4 =	simm.s32 $_scs_section_size  }
0x9a: {  	s5 =	simm.s32 $_size__tile_overlayer_lowered;
	s6 =	simm.s32 $_tile_overlayer_lowered  }
0x9b: {  	s22 =	simm.s32 $0x1BFF;
	s21 =	sshll.u32 s6, $0x1;
	s3 =	sadd.s32 s4, s19  }
0x9c: {  	s7 =	simm.s32 $0x0;
	s20 =	sshll.u32 s5, $0x1;
	s5 =	sadd.s32 s21, s3  }
0x9d: {  	[timem:s7], [sflag:s22] =	dma.local [hbm:s5], s20  }
0x9e: {  	_ =	swait.ge [sflag:s22], s20  }
0x9f: {  	s4 =	ssub.s32 $0x0, s20;
	[sflag:s22] =	ssyncset.done $0x0  }
0xa0: {  	[sflag:s22] =	ssyncadd.s32 s4;
	_ =	sdelay $0x1  }
0xa1: {  	s23 =	simm.s32 $0x1B8B  }
0xa2: {  	_ =	swait.ge [sflag:s23], $0x1  }
0xa3: {  	[sflag:s23] =	ssyncset.done $0x0  }
0xa4: {  	s25 =	simm.s32 $0x1B8E;
	s24 =	sld [smem:$0x3FFE];
	[sflag:s23] =	ssyncadd.s32 $0xFFFFFFFF  }
0xa5: {  	s26 =	simm.s32 $execute0_lowered;
	[smem:$0x3FD2] =	sst s25  }
0xa6: {  	s5 =	sshll.u32 s26, $0x1;
	_ =	strace $0x8000004C;
	[dreg:$0x1] =	wrdreg $0xFFFFFFFF  }
0xa7: {  	s28 =	simm.s32 $_size_execute0_lowered;
	s3 =	sadd.s32 s3, s5;
	[dreg:$0x0] =	wrdreg $0x0  }
0xa8: {  	s5 =	sshll.u32 s28, $0x1;
	[dreg:$0x2] =	wrdreg s3  }
0xa9: {  	[dreg:$0x3] =	wrdreg s5  }
0xaa: {  	[dreg:$0x4] =	wrdreg $0xC0  }
0xab: {  	_ =	task [dreg:s7], $0x5FFFF  }
0xac: {  	[dreg:$0x1] =	wrdreg $0xFFFFFFFF  }
0xad: {  	[dreg:$0x0] =	wrdreg $0x60  }
0xae: {  	[dreg:$0x2] =	wrdreg s24  }
0xaf: {  	[dreg:$0x3] =	wrdreg s2  }
0xb0: {  	[dreg:$0x4] =	wrdreg $0x88000  }
0xb1: {  	[dreg:$0x5] =	wrdreg $0x9  }
0xb2: {  	_ =	task.clear_ibuf [dreg:s7], $0x6FFFF;
	_ =	strace $0x9000004C  }
0xb3: {  	s29 =	simm.s32 $0x9;
	_ =	strace $0x8000004E  }
0xb4: {  	_ =	swait.ge [sflag:s29], $0x1  }
0xb5: {  	[sflag:s29] =	ssyncadd.s32 $0xFFFFFFFF  }
0xb6: {  	_ =	strace $0x9000004E  }
0xb7: {  	_ =	sfence  }
0xb8: {  	s30 =	sld [smem:$0x0];
	_ =	sdelay $0x2  }
0xb9: {  	s31 =	sshll.u32 s1, $0xD;
	s1 =	sshrl.u32 s1, $0x2  }
0xba: {  	s3 =	sand.u32 $0x4000, s31;
	s1 =	sadd.s32 s1, s30  }
0xbb: {  	s0 =	sor.u32 s3, s0;
	s1 =	sshll.u32 s1, $0x11  }
0xbc: {  	s0 =	sor.u32 s1, s0  }
0xbd: {  	s0 =	sadd.s32 $0x8F2B, s0  }
0xbe: {  	[sflag:s0] =	ssyncadd.remote.s32 $0x1  }
0xbf: {  	_ =	sfence.sel $0xFFFF  }
0xc0: {  	[dreg:$0x0] =	wrdreg $0xFFFFFFFF;
	(pc) =	sbr.abs _section_cstart, $3  }
0xc1: {  	[dreg:$0x1] =	wrdreg $0xFFFFFFFF  }
0xc2: {  	_ =	task.clear_ibuf [dreg:s7], $0x2FFFF;
	_ =	strace $0x9FFFFFFF  }
0xc3: {  	(tm) =	ssettm $0x7FFFFFFF  }
tec
execute0_lowered:
.L_overlay_start_1:
0x0: {  	(tag) =	ssettag $0x1  }
0x1: {  	s6 =	rddreg [dreg:$0x0]  }
0x2: {  	s2 =	rddreg [dreg:$0x1]  }
0x3: {  	s3 =	rddreg [dreg:$0x2];
	s4 =	srdreg.scid  }
0x4: {  	s1 =	stileid.u32;
	s13 =	simm.s32 $0x80;
	s14 =	simm.s32 $0x2800  }
0x5: {  	s15 =	simm.s32 $0x3000;
	s16 =	simm.s32 $0x100;
	s17 =	simm.s32 $0x3800  }
0x6: {  	s18 =	simm.s32 $0x180;
	s19 =	simm.s32 $0x4000;
	s20 =	simm.s32 $0x200  }
0x7: {  	s21 =	simm.s32 $0x4800;
	s22 =	simm.s32 $0x280;
	s23 =	simm.s32 $0x5000  }
0x8: {  	s24 =	simm.s32 $0x1;
	s25 =	simm.s32 $0x2;
	s26 =	simm.s32 $0x0  }
0x9: {  	s7 =	sand.u32 $0x1, s4;
	s5 =	sshll.u32 s1, $0x1;
	s8 =	smul.u32 $0x5000, s1  }
0xa: {  	s4 =	simm.s32 $0x0;
	s31 =	sshll.u32 s1, $0x6;
	s5 =	sor.u32 s7, s5  }
0xb: {  	s9 =	smul.u32 $0x50000, s7;
	[smem:$0x7FF] =	sst s4;
	s7 =	ssub.s32 $0x2, s7  }
0xc: {  	s10 =	smul.u32 $0x280, s5;
	_ =	strace $0x8000004D;
	s5 =	sadd.s32 $0x1800, s6  }
0xd: {  	s30 =	sshrl.u32 s7, $0x1;
	s9 =	sadd.s32 s8, s9;
	s8 =	sshrl.u32 s8, $0x1  }
0xe: {  	s11 =	ssub.s32 s7, s30;
	s10 =	sadd.s32 s10, s6;
	s9 =	sshrl.u32 s9, $0x4  }
0xf: {  	s12 =	sadd.s32 s8, s3;
	s9 =	sadd.s32 s9, s6;
	s6 =	sor.u32 $0x1C03, s31  }
0x10: {  	s7 =	sadd.s32 $0x11200, s10;
	s8 =	sadd.s32 $0xC200, s10;
	s10 =	smax.u32 s11, $0x1  }
0x11: {  	s11 =	sshrl.u32 s12, $0x3;
	s12 =	simm.s32 $0x3;
	s9 =	sadd.s32 $0x3E200, s9  }
.LBB2_1:
0x12: {  	[spmem:s11], [sflag:s6] =	dma.local [hbm:s2], $0x500  }
0x13: {  	_ =	swait.ge [sflag:s12], $0x500  }
0x14: {  	[sflag:s12] =	ssyncset.done $0x0  }
0x15: {  	[sflag:s12] =	ssyncadd.s32 $0xFFFFFB00  }
0x16: {  	[tilespmem:s4], [sflag:$0x3] =	stream.linear.gather [hbm4b:s7+s4], $0x1400, $0x38;
	[tilespmem:$0xB000] =	vst v63  }
0x17: {  	_ =	swait.ge [sflag:s12], $0x1400  }
0x18: {  	[sflag:s12] =	ssyncset.done $0x0  }
0x19: {  	s28 =	simm.s32 $0x1400;
	[sflag:s12] =	ssyncadd.s32 $0xFFFFEC00  }
0x1a: {  	[tilespmem:s28], [sflag:$0x3] =	stream.linear.gather [hbm4b:s8+s4], $0x1400, $0x38;
	[tilespmem:$0xB000] =	vst v63  }
0x1b: {  	_ =	swait.ge [sflag:s12], $0x1400  }
0x1c: {  	[sflag:s12] =	ssyncset.done $0x0  }
0x1d: {  	[sflag:s12] =	ssyncadd.s32 $0xFFFFEC00  }
0x1e: {  	[bflag:$0x0] =	sbarrier.arrive $0xFFFF  }
0x1f: {  	[tilespmem:s14], [sflag:$0x1] =	stream.indirect.gather [hbm4b:s5+s13], $0x10, s4, s13, $0xb8;
	[tilespmem:$0xB000] =	vst v63  }
0x20: {  	_ = 	snop  }
0x21: {  	[tilespmem:s15], [sflag:$0x1] =	stream.indirect.gather [hbm4b:s5+s13], $0x10, s13, s13, $0xb8;
	[tilespmem:$0xB000] =	vst v63  }
0x22: {  	_ = 	snop  }
0x23: {  	[tilespmem:s17], [sflag:$0x1] =	stream.indirect.gather [hbm4b:s5+s13], $0x10, s16, s13, $0xb8;
	[tilespmem:$0xB000] =	vst v63  }
0x24: {  	_ = 	snop  }
0x25: {  	[tilespmem:s19], [sflag:$0x1] =	stream.indirect.gather [hbm4b:s5+s13], $0x10, s18, s13, $0xb8;
	[tilespmem:$0xB000] =	vst v63  }
0x26: {  	_ = 	snop  }
0x27: {  	[tilespmem:s21], [sflag:$0x1] =	stream.indirect.gather [hbm4b:s5+s13], $0x10, s20, s13, $0xb8;
	[tilespmem:$0xB000] =	vst v63  }
0x28: {  	s29 =	simm.s32 $0x300;
	s30 =	simm.s32 $0x0  }
0x29: {  	[tilespmem:s23], [sflag:$0x1] =	stream.indirect.gather [hbm4b:s5+s13], $0x10, s22, s13, $0xb8;
	[tilespmem:$0xB000] =	vst v63  }
.LBB2_2:
0x2a: {  	s31 =	smul.u32 $0xAB, s30;
	_ =	sdelay $0x1  }
0x2b: {  	s31 =	sshrl.u32 s31, $0xB  }
0x2c: {  	s31 =	sand.u32 $0x1F, s31  }
0x2d: {  	s31 =	smul.u32 $0xC, s31;
	_ =	sdelay $0x1  }
0x2e: {  	s31 =	ssub.s32 s30, s31  }
0x2f: {  	_ =	swait.ge [sflag:s24], $0x800;
	s31 =	sand.u32 $0xFF, s31  }
0x30: {  	[sflag:s24] =	ssyncset.done $0x0;
	s31 =	sshll.u32 s31, $0xB  }
0x31: {  	p0 =	slt.u32 s30, $0x6;
	[sflag:s24] =	ssyncadd.s32 $0xFFFFF800;
	s31 =	sadd.s32 $0x2800, s31  }
0x32: {  	[spmem:s3] =	stream.indirect.scatter.add.bf16 [tilespmem:s31], [sflag:$0x2], $0x10, s28, s13, $0xb8;
	[tilespmem:$0xB000] =	vst v63  }
0x33: {  	s31 =	simm.s32 @!p0 $0x2  }
0x34: {  	p1 =	sgt.u32 @!p0 s30, $0x21;
	_ =	swait.ge @!p0 [sflag:s31], $0x800  }
0x35: {  	p1 =	por p0, !p1;
	[sflag:s31] =	ssyncset.done @!p0 $0x0  }
0x36: {  	[sflag:s31] =	ssyncadd.s32 @!p0 $0xFFFFF800;
	s31 =	sadd.s32 @p1 $0x6, s30  }
0x37: {  	s0 =	smul.u32 @p1 $0xAB, s31;
	_ =	sdelay $0x1  }
0x38: {  	s0 =	sshrl.u32 @p1 s0, $0xB  }
0x39: {  	s0 =	sand.u32 @p1 $0x1F, s0  }
0x3a: {  	s0 =	smul.u32 @p1 $0xC, s0  }
0x3b: {  	s30 =	sadd.s32 $0x1, s30  }
0x3c: {  	p0 =	sne.s32 s30, $0x28;
	s0 =	ssub.s32 @p1 s31, s0  }
.Ltmp0:
0x3d: {  	s0 =	sand.u32 @p1 $0xFF, s0;
	(pc) =	sbr.rel @p0 .LBB2_2-.Ltmp0, $4  }
0x3e: {  	s0 =	sshll.u32 @p1 s0, $0xB  }
0x3f: {  	s0 =	sadd.s32 @p1 $0x2800, s0  }
0x40: {  	[tilespmem:s0], [sflag:$0x1] =	stream.indirect.gather @p1 [hbm4b:s5+s13], $0x10, s29, s13, $0xb8;
	[tilespmem:$0xB000] =	vst v63  }
0x41: {  	s28 =	sadd.s32 $0x80, s28;
	s29 =	sadd.s32 $0x80, s29  }
0x42: {  	_ =	swait.ge [sflag:s25], $0x800  }
0x43: {  	[sflag:s25] =	ssyncset.done $0x0  }
0x44: {  	[sflag:s25] =	ssyncadd.s32 $0xFFFFF800  }
0x45: {  	_ =	swait.ge [sflag:s25], $0x800  }
0x46: {  	[sflag:s25] =	ssyncset.done $0x0  }
0x47: {  	[sflag:s25] =	ssyncadd.s32 $0xFFFFF800  }
0x48: {  	_ =	swait.ge [sflag:s25], $0x800  }
0x49: {  	[sflag:s25] =	ssyncset.done $0x0  }
0x4a: {  	[sflag:s25] =	ssyncadd.s32 $0xFFFFF800  }
0x4b: {  	_ =	swait.ge [sflag:s25], $0x800  }
0x4c: {  	[sflag:s25] =	ssyncset.done $0x0  }
0x4d: {  	[sflag:s25] =	ssyncadd.s32 $0xFFFFF800  }
0x4e: {  	_ =	swait.ge [sflag:s25], $0x800  }
0x4f: {  	[sflag:s25] =	ssyncset.done $0x0  }
0x50: {  	[sflag:s25] =	ssyncadd.s32 $0xFFFFF800  }
0x51: {  	_ =	swait.ge [sflag:s25], $0x800  }
0x52: {  	s26 =	sadd.s32 $0x1, s26;
	[sflag:s25] =	ssyncset.done $0x0  }
0x53: {  	p0 =	sne.s32 s26, s10;
	[sflag:s25] =	ssyncadd.s32 $0xFFFFF800  }
.Ltmp1:
0x54: {  	[bflag:$0x0] =	sbarrier.arrive $0xFFFF;
	(pc) =	sbr.rel @p0 .LBB2_1-.Ltmp1, $4  }
0x55: {  	[hbm:s9], [sflag:s6] =	dma.local [spmem:s11], $0x500  }
0x56: {  	_ =	swait.ge [sflag:s12], $0x500  }
0x57: {  	[sflag:s12] =	ssyncset.done $0x0  }
0x58: {  	[sflag:s12] =	ssyncadd.s32 $0xFFFFFB00  }
0x59: {  	_ =	sfence.sel $0x180000  }
0x5a: {  	[bflag:$0x0] =	sbarrier.arrive $0xFFFF  }
0x5b: {  	_ =	strace $0x9000004D  }
0x5c: {  	[bflag:$0x2] =	sbarrier.arrive $0xFFFF  }
0x5d: {  	p0 =	sne.s32 s1, $0x0;
	s0 =	rddreg [dreg:$0x3]  }
0x5e: {  	s0 =	sadd.s32 @!p0 $0x100000, s0  }
0x5f: {  	[sflag:s0] =	ssyncadd.tile.s32 @!p0 $0x1;
	_ =	shalt  }
.Lfunc_end2:
_tile_overlayer_lowered:
.L_overlay_start_2:
0x60: {  	(tag) =	ssettag $0x2  }
0x61: {  	s0 =	rddreg [dreg:$0x0];
	s2 =	stileid.u32  }
0x62: {  	s1 =	rddreg [dreg:$0x1];
	p0 =	sne.s32 s2, $0x0  }
0x63: {  	s3 =	rddreg [dreg:$0x2];
	[bflag:$0x3] =	sbarrier.arrive $0xFFFF;
	s2 =	simm.s32 @!p0 $0x1C03  }
0x64: {  	[timem:s3], [sflag:s2] =	dma.local @!p0 [hbm:s0], s1  }
0x65: {  	s0 =	simm.s32 @!p0 $0x3  }
0x66: {  	_ =	swait.ge @!p0 [sflag:s0], s1  }
0x67: {  	s1 =	ssub.s32 @!p0 $0x0, s1;
	[sflag:s0] =	ssyncset.done @!p0 $0x0  }
0x68: {  	[sflag:s0] =	ssyncadd.s32 @!p0 s1  }
0x69: {  	[bflag:$0x3] =	sbarrier.arrive $0xFFFF  }
0x6a: {  	_ =	shalt  }

// kernel: kernel.8.cloned.1.call-start
scs
__scs_entry_jumppad:
0x0: {  	(pc) =	sbr.rel $0x88, $3  }
0x1: {  	(tag) =	ssettag $0x0;
	lr =	simm.s32 $0x1  }
0x2: {  	[smem:$0x3F99] =	sst lr;
	_ =	strace $0xD0000000  }
0x3: {  	_ = 	snop  }
0x4: {  	_ = 	snop  }
0x5: {  	_ = 	snop  }
0x6: {  	_ = 	snop  }
0x7: {  	_ = 	snop  }
__scs_overlays_trampoline_lowered:
0x8: {  	[smem:$0x3FA8] =	sst s0  }
0x9: {  	[smem:$0x3FA9] =	sst s1  }
0xa: {  	[smem:$0x3FAA] =	sst s2  }
0xb: {  	[smem:$0x3FAB] =	sst s3  }
0xc: {  	[smem:$0x3FAC] =	sst s4  }
0xd: {  	[smem:$0x3FAD] =	sst s5  }
0xe: {  	[smem:$0x3FAE] =	sst s6  }
0xf: {  	[smem:$0x3FAF] =	sst s7  }
0x10: {  	[smem:$0x3FB0] =	sst s8  }
0x11: {  	[smem:$0x3FB1] =	sst s9;
	s0 =	simm.s32 @!p0 $0x0  }
0x12: {  	s1 =	sld [smem:$0x3F97];
	s0 =	simm.s32 @p0 $0x1  }
0x13: {  	[smem:$0x3FB2] =	sst s0;
	s0 =	simm.s32 @!p1 $0x0  }
0x14: {  	s2 =	sld [smem:$0x3F96];
	s0 =	simm.s32 @p1 $0x1  }
0x15: {  	[smem:$0x3FB3] =	sst s0;
	s0 =	simm.s32 @!p2 $0x0  }
0x16: {  	s3 =	sld [smem:$0x3FDB];
	s0 =	simm.s32 @p2 $0x1  }
0x17: {  	s4 =	simm.s32 $0x1BF5;
	[smem:$0x3FB5] =	sst s0  }
0x18: {  	s0 =	sld [smem:$0x3F98];
	_ =	swait.ge [sflag:s4], $0x0  }
0x19: {  	s7 =	sld [smem:$0x3F99]  }
0x1a: {  	s8 =	sadd.s32 $0xFFFFE003, lr  }
0x1b: {  	s9 =	sadd.s32 $0xFFFFFEF7, lr;
	s5 =	simm.s32 $0xFFFFFFFF;
	p2 =	slt.u32 s8, $0xFFFFF086  }
0x1c: {  	p1 =	slt.u32 s9, $0xF7A;
	s5 =	simm.s32 @!p2 $0x0  }
0x1d: {  	s5 =	simm.s32 @p1 $0x1;
	p0 =	seq.s32 s7, s2  }
0x1e: {  	s7 =	smul.u32 @!p0 $0xF7A, s2;
	p2 =	seq.s32 @!p0 s5, $0x0  }
0x1f: {  	s9 =	smul.u32 $0xF7A, s1;
	s8 =	simm.s32 @!p0 $0x1BF5;
	p2 =	por !p2, p0  }
0x20: {  	[sflag:s8] =	ssyncset.s32 @!p0 $0xFFFFF086;
	s6 =	sadd.s32 @!p0 s3, s7;
	s7 =	simm.s32 @!p0 $0x108  }
0x21: {  	s3 =	sadd.s32 s3, s9;
	s6 =	sadd.s32 @!p0 $0x88, s6;
	s7 =	simm.s32 @p2 $0x1082  }
0x22: {  	[simem:s7], [sflag:s8] =	dma.local @!p0 [hbm:s6], $0xF7A  }
0x23: {  	s9 =	sor.u32 $0xD0000000, s2;
	s6 =	simm.s32 $0x108;
	_ =	swait.ge @!p0 [sflag:s8], $0x0  }
0x24: {  	s3 =	sadd.s32 $0x88, s3;
	s6 =	simm.s32 @!p1 $0x1082;
	[sflag:s4] =	ssyncset.s32 $0xFFFFF086  }
0x25: {  	[simem:s6], [sflag:s4] =	dma.local [hbm:s3], $0xF7A  }
0x26: {  	[smem:$0x3F99] =	sst s1;
	(tag) =	ssettag s2;
	_ =	strace s9  }
0x27: {  	s1 =	sld [smem:$0x3FA9]  }
0x28: {  	s2 =	sld [smem:$0x3FAA]  }
0x29: {  	s4 =	sld [smem:$0x3FAC]  }
0x2a: {  	p0 =	seq.s32 s5, $0x0;
	s5 =	sld [smem:$0x3FAD]  }
0x2b: {  	s6 =	sld [smem:$0x3FAE]  }
0x2c: {  	s7 =	sld [smem:$0x3FAF]  }
0x2d: {  	s3 =	simm.s32 $0x108;
	s8 =	sld [smem:$0x3FB0]  }
0x2e: {  	s3 =	simm.s32 @!p0 $0x1082;
	s9 =	sld [smem:$0x3FB1]  }
0x2f: {  	lr =	sadd.s32 s0, s3;
	s0 =	sld [smem:$0x3FA8]  }
0x30: {  	s3 =	sld [smem:$0x3FAB]  }
0x31: {  	[smem:$0x3FB4] =	sst s10  }
0x32: {  	s10 =	sld [smem:$0x3FB2];
	_ =	sdelay $0x3  }
0x33: {  	p0 =	seq.s32 s10, $0x1;
	s10 =	sld [smem:$0x3FB4];
	_ =	sdelay $0x3  }
0x34: {  	[smem:$0x3FB4] =	sst s10  }
0x35: {  	s10 =	sld [smem:$0x3FB3];
	_ =	sdelay $0x3  }
0x36: {  	p1 =	seq.s32 s10, $0x1;
	s10 =	sld [smem:$0x3FB4];
	_ =	sdelay $0x3  }
0x37: {  	[smem:$0x3FB4] =	sst s10  }
0x38: {  	s10 =	sld [smem:$0x3FB5]  }
0x39: {  	_ = 	snop;
	(pc) =	sbr.ind lr, $3  }
0x3a: {  	_ = 	snop  }
0x3b: {  	_ = 	snop  }
0x3c: {  	p2 =	seq.s32 s10, $0x1;
	s10 =	sld [smem:$0x3FB4]  }
0x3d: {  	_ =	shalt  }
0x3e: {  	_ =	shalt  }
0x3f: {  	_ =	shalt  }
0x40: {  	_ =	shalt  }
0x41: {  	_ =	shalt  }
0x42: {  	_ =	shalt  }
0x43: {  	_ =	shalt  }
0x44: {  	_ =	shalt  }
0x45: {  	_ =	shalt  }
0x46: {  	_ =	shalt  }
0x47: {  	_ =	shalt  }
0x48: {  	_ =	shalt  }
0x49: {  	_ =	shalt  }
0x4a: {  	_ =	shalt  }
0x4b: {  	_ =	shalt  }
0x4c: {  	_ =	shalt  }
0x4d: {  	_ =	shalt  }
0x4e: {  	_ =	shalt  }
0x4f: {  	_ =	shalt  }
0x50: {  	_ =	shalt  }
0x51: {  	_ =	shalt  }
0x52: {  	_ =	shalt  }
0x53: {  	_ =	shalt  }
0x54: {  	_ =	shalt  }
0x55: {  	_ =	shalt  }
0x56: {  	_ =	shalt  }
0x57: {  	_ =	shalt  }
0x58: {  	_ =	shalt  }
0x59: {  	_ =	shalt  }
0x5a: {  	_ =	shalt  }
0x5b: {  	_ =	shalt  }
0x5c: {  	_ =	shalt  }
0x5d: {  	_ =	shalt  }
0x5e: {  	_ =	shalt  }
0x5f: {  	_ =	shalt  }
0x60: {  	_ =	shalt  }
0x61: {  	_ =	shalt  }
0x62: {  	_ =	shalt  }
0x63: {  	_ =	shalt  }
0x64: {  	_ =	shalt  }
0x65: {  	_ =	shalt  }
0x66: {  	_ =	shalt  }
0x67: {  	_ =	shalt  }
0x68: {  	_ =	shalt  }
0x69: {  	_ =	shalt  }
0x6a: {  	_ =	shalt  }
0x6b: {  	_ =	shalt  }
0x6c: {  	_ =	shalt  }
0x6d: {  	_ =	shalt  }
0x6e: {  	_ =	shalt  }
0x6f: {  	_ =	shalt  }
0x70: {  	_ =	shalt  }
0x71: {  	_ =	shalt  }
0x72: {  	_ =	shalt  }
0x73: {  	_ =	shalt  }
0x74: {  	_ =	shalt  }
0x75: {  	_ =	shalt  }
0x76: {  	_ =	shalt  }
0x77: {  	_ =	shalt  }
0x78: {  	_ =	shalt  }
0x79: {  	_ =	shalt  }
0x7a: {  	_ =	shalt  }
0x7b: {  	_ =	shalt  }
0x7c: {  	_ =	shalt  }
0x7d: {  	_ =	shalt  }
0x7e: {  	_ =	shalt  }
0x7f: {  	_ =	shalt  }
0x80: {  	_ =	shalt  }
0x81: {  	_ =	shalt  }
0x82: {  	_ =	shalt  }
0x83: {  	_ =	shalt  }
0x84: {  	_ =	shalt  }
0x85: {  	_ =	shalt  }
0x86: {  	_ =	shalt  }
0x87: {  	_ =	shalt  }
.Lfunc_end0:
.L_simem_size_0:
called_computation_lowered:
.L_overlay_start_0:
0x88: {  	s2 =	sld [smem:$0x3FD9]  }
0x89: {  	s3 =	sld [smem:$0x3FFE];
	_ =	sdelay $0x1  }
0x8a: {  	s1 =	srdreg.scid  }
0x8b: {  	s0 =	sand.u32 $0x1, s1  }
0x8c: {  	s17 =	sshll.u32 s0, $0xA;
	s2 =	sadd.s32 s3, s2  }
0x8d: {  	s2 =	sadd.s32 s2, s17  }
0x8e: {  	[smem:$0x3FC0] =	sst s2  }
0x8f: {  	_ = 	snop  }
0x90: {  	(tm) =	ssettm $0x1  }
0x91: {  	s18 =	sld [smem:$0x3FFB];
	_ =	sdelay $0x3  }
0x92: {  	_ =	strace s18  }
0x93: {  	s2 =	sld [smem:$0x3FFC];
	_ =	sdelay $0x3  }
0x94: {  	_ =	strace s2  }
0x95: {  	s2 =	sld [smem:$0x3FFD];
	_ =	sdelay $0x3  }
0x96: {  	_ =	strace s2  }
0x97: {  	_ =	strace $0x8FFFFFFF  }
0x98: {  	s19 =	sld [smem:$0x3FDB];
	_ =	sdelay $0x1  }
0x99: {  	s20 =	simm.s32 $_scs_section_size  }
0x9a: {  	s4 =	simm.s32 $_size__tile_overlayer_lowered;
	s5 =	simm.s32 $_tile_overlayer_lowered  }
0x9b: {  	s6 =	simm.s32 $0x1BFF;
	s21 =	sshll.u32 s5, $0x1;
	s3 =	sadd.s32 s20, s19  }
0x9c: {  	s22 =	simm.s32 $0x0;
	s4 =	sshll.u32 s4, $0x1;
	s5 =	sadd.s32 s21, s3  }
0x9d: {  	[timem:s22], [sflag:s6] =	dma.local [hbm:s5], s4  }
0x9e: {  	_ =	swait.ge [sflag:s6], s4  }
0x9f: {  	s4 =	ssub.s32 $0x0, s4;
	[sflag:s6] =	ssyncset.done $0x0  }
0xa0: {  	[sflag:s6] =	ssyncadd.s32 s4;
	_ =	sdelay $0x1  }
0xa1: {  	s23 =	simm.s32 $0x1B8B  }
0xa2: {  	_ =	swait.ge [sflag:s23], $0x1  }
0xa3: {  	[sflag:s23] =	ssyncset.done $0x0  }
0xa4: {  	[sflag:s23] =	ssyncadd.s32 $0xFFFFFFFF  }
0xa5: {  	s4 =	sld [smem:$0x0]  }
0xa6: {  	s5 =	sand.u32 $0xFFFFFFFE, s1  }
0xa7: {  	p0 =	sne.s32 s1, s5  }
0xa8: {  	s5 =	sshll.u32 @p0 s5, $0xE  }
0xa9: {  	s5 =	sadd.s32 @p0 $0x11B8D, s5;
	s6 =	sshll.u32 @p0 s4, $0x11  }
0xaa: {  	s5 =	sor.u32 @p0 s6, s5  }
0xab: {  	[sflag:s5] =	ssyncadd.remote.s32 @p0 $0x1;
	_ =	sdelay $0x1  }
0xac: {  	s5 =	simm.s32 @p0 $0x1B8D  }
0xad: {  	_ =	swait.eq @p0 [sflag:s5], $0x1  }
0xae: {  	[sflag:s5] =	ssyncadd.s32 @p0 $0xFFFFFFFF  }
0xaf: {  	s6 =	sshll.u32 @!p0 s1, $0xE  }
0xb0: {  	s6 =	sor.u32 @!p0 $0x4000, s6;
	s5 =	simm.s32 @!p0 $0x1B8D  }
0xb1: {  	s4 =	sshll.u32 @!p0 s4, $0x11;
	s6 =	sadd.s32 @!p0 $0x11B8D, s6;
	_ =	swait.eq @!p0 [sflag:s5], $0x1  }
0xb2: {  	s4 =	sor.u32 @!p0 s4, s6;
	[sflag:s5] =	ssyncadd.s32 @!p0 $0xFFFFFFFF  }
0xb3: {  	s25 =	simm.s32 $0x1B8E;
	s24 =	sld [smem:$0x3FFE];
	[sflag:s4] =	ssyncadd.remote.s32 @!p0 $0x1  }
0xb4: {  	s26 =	simm.s32 $execute0_lowered;
	[smem:$0x3FD2] =	sst s25  }
0xb5: {  	s5 =	sshll.u32 s26, $0x1;
	_ =	strace $0x80000049;
	[dreg:$0x1] =	wrdreg $0xFFFFFFFF  }
0xb6: {  	s28 =	simm.s32 $_size_execute0_lowered;
	s3 =	sadd.s32 s3, s5;
	[dreg:$0x0] =	wrdreg $0x0  }
0xb7: {  	s5 =	sshll.u32 s28, $0x1;
	[dreg:$0x2] =	wrdreg s3  }
0xb8: {  	[dreg:$0x3] =	wrdreg s5  }
0xb9: {  	[dreg:$0x4] =	wrdreg $0xC0  }
0xba: {  	_ =	task [dreg:s22], $0x5FFFF  }
0xbb: {  	[dreg:$0x1] =	wrdreg $0xFFFFFFFF  }
0xbc: {  	[dreg:$0x0] =	wrdreg $0x60  }
0xbd: {  	[dreg:$0x2] =	wrdreg s24  }
0xbe: {  	[dreg:$0x3] =	wrdreg $0x14800  }
0xbf: {  	[dreg:$0x4] =	wrdreg $0x9  }
0xc0: {  	_ =	task.clear_ibuf [dreg:s22], $0x5FFFF;
	_ =	strace $0x90000049  }
0xc1: {  	s29 =	simm.s32 $0x9;
	_ =	strace $0x8000004B  }
0xc2: {  	_ =	swait.ge [sflag:s29], $0x1  }
0xc3: {  	[sflag:s29] =	ssyncadd.s32 $0xFFFFFFFF  }
0xc4: {  	_ =	strace $0x9000004B  }
0xc5: {  	_ =	sfence  }
0xc6: {  	s30 =	sld [smem:$0x0];
	_ =	sdelay $0x2  }
0xc7: {  	s31 =	sshll.u32 s1, $0xD;
	s1 =	sshrl.u32 s1, $0x2  }
0xc8: {  	s4 =	sand.u32 $0x4000, s31;
	s1 =	sadd.s32 s1, s30  }
0xc9: {  	s0 =	sor.u32 s4, s0;
	s1 =	sshll.u32 s1, $0x11  }
0xca: {  	s0 =	sor.u32 s1, s0  }
0xcb: {  	s0 =	sadd.s32 $0x8F2B, s0  }
0xcc: {  	[sflag:s0] =	ssyncadd.remote.s32 $0x1  }
0xcd: {  	_ =	sfence.sel $0xFFFF  }
0xce: {  	[dreg:$0x0] =	wrdreg $0xFFFFFFFF;
	(pc) =	sbr.abs _section_cstart, $3  }
0xcf: {  	[dreg:$0x1] =	wrdreg $0xFFFFFFFF  }
0xd0: {  	_ =	task.clear_ibuf [dreg:s22], $0x2FFFF;
	_ =	strace $0x9FFFFFFF  }
0xd1: {  	(tm) =	ssettm $0x7FFFFFFF  }
tec
execute0_lowered:
.L_overlay_start_1:
0x0: {  	(tag) =	ssettag $0x1  }
0x1: {  	s0 =	srdreg.scid;
	s6 =	rddreg [dreg:$0x0]  }
0x2: {  	s9 =	stileid.u32;
	s2 =	rddreg [dreg:$0x1];
	s3 =	simm.s32 $0x0  }
0x3: {  	s11 =	simm.s32 $0x2;
	s12 =	simm.s32 $0x1400;
	s13 =	simm.s32 $0x80  }
0x4: {  	s17 =	simm.s32 $0xC00;
	s18 =	simm.s32 $0xC80;
	s19 =	simm.s32 $0xD00  }
0x5: {  	s20 =	simm.s32 $0xD80;
	s21 =	simm.s32 $0xE00;
	s22 =	simm.s32 $0xE80  }
0x6: {  	s23 =	simm.s32 $0xF00;
	s24 =	simm.s32 $0xF80;
	s28 =	simm.s32 $0x1100  }
0x7: {  	s29 =	simm.s32 $0x1180;
	s30 =	simm.s32 $0x1200;
	s31 =	simm.s32 $0x1280  }
0x8: {  	s14 =	simm.s32 $0x1;
	s15 =	simm.s32 $0x0;
	s0 =	sand.u32 $0x1, s0  }
0x9: {  	s1 =	sshll.u32 s9, $0x1;
	s7 =	smul.u32 $0x280, s9;
	[smem:$0x7FF] =	sst s3  }
0xa: {  	s26 =	sshll.u32 s9, $0x6;
	s1 =	sor.u32 s0, s1;
	s4 =	smul.u32 $0x2800, s0  }
0xb: {  	_ =	strace $0x8000004A;
	s0 =	ssub.s32 $0x2, s0;
	s1 =	smul.u32 $0x280, s1  }
0xc: {  	s25 =	sshrl.u32 s0, $0x1;
	s10 =	sadd.s32 s7, s2;
	s5 =	sadd.s32 s7, s4  }
0xd: {  	s4 =	sadd.s32 $0x2A200, s6;
	s0 =	ssub.s32 s0, s25;
	s10 =	sshrl.u32 s10, $0x3  }
0xe: {  	s25 =	simm.s32 $0x1000;
	s1 =	sadd.s32 s1, s6;
	s8 =	sshrl.u32 s5, $0x3  }
0xf: {  	s5 =	sadd.s32 $0x2A400, s6;
	s9 =	smax.u32 s0, $0x1;
	s0 =	simm.s32 $0x1380  }
0x10: {  	s8 =	sadd.s32 s8, s6;
	s6 =	sor.u32 $0x1C02, s26;
	s7 =	sadd.s32 $0xC200, s1  }
0x11: {  	s26 =	simm.s32 $0x1080;
	s1 =	simm.s32 $0x1300;
	s8 =	sadd.s32 $0x2A600, s8  }
.LBB2_1:
0x12: {  	[spmem:s10], [sflag:s6] =	dma.local [hbm:s4], $0x50  }
0x13: {  	_ =	swait.ge [sflag:s11], $0x50  }
0x14: {  	[sflag:s11] =	ssyncset.done $0x0  }
0x15: {  	[sflag:s11] =	ssyncadd.s32 $0xFFFFFFB0  }
0x16: {  	[tilespmem:s3], [sflag:$0x2] =	stream.linear.gather [hbm4b:s7+s3], $0x1400, $0x38;
	[tilespmem:$0x1700] =	vst v63  }
0x17: {  	_ =	swait.ge [sflag:s11], $0x1400  }
0x18: {  	[sflag:s11] =	ssyncset.done $0x0  }
0x19: {  	[sflag:s11] =	ssyncadd.s32 $0xFFFFEC00  }
0x1a: {  	[tilespmem:s12], [sflag:$0x2] =	stream.linear.gather [hbm4b:s5+s3], $0x80, $0x38;
	[tilespmem:$0x1700] =	vst v63  }
0x1b: {  	_ =	swait.ge [sflag:s11], $0x80  }
0x1c: {  	[sflag:s11] =	ssyncset.done $0x0  }
0x1d: {  	[sflag:s11] =	ssyncadd.s32 $0xFFFFFF80  }
0x1e: {  	[bflag:$0x0] =	sbarrier.arrive $0xFFFF  }
0x1f: {  	[spmem:s2] =	stream.indirect.scatter.add.f32 [tilespmem:s12], [sflag:$0x1], $0x1, s3, s13, $0xb8;
	[tilespmem:$0x1700] =	vst v63  }
0x20: {  	_ = 	snop  }
0x21: {  	[spmem:s2] =	stream.indirect.scatter.add.f32 [tilespmem:s12], [sflag:$0x1], $0x1, s13, s13, $0xb8;
	[tilespmem:$0x1700] =	vst v63  }
0x22: {  	s16 =	simm.s32 $0x100  }
0x23: {  	[spmem:s2] =	stream.indirect.scatter.add.f32 [tilespmem:s12], [sflag:$0x1], $0x1, s16, s13, $0xb8;
	[tilespmem:$0x1700] =	vst v63  }
0x24: {  	s16 =	simm.s32 $0x180  }
0x25: {  	[spmem:s2] =	stream.indirect.scatter.add.f32 [tilespmem:s12], [sflag:$0x1], $0x1, s16, s13, $0xb8;
	[tilespmem:$0x1700] =	vst v63  }
0x26: {  	s16 =	simm.s32 $0x200  }
0x27: {  	[spmem:s2] =	stream.indirect.scatter.add.f32 [tilespmem:s12], [sflag:$0x1], $0x1, s16, s13, $0xb8;
	[tilespmem:$0x1700] =	vst v63  }
0x28: {  	s16 =	simm.s32 $0x280  }
0x29: {  	[spmem:s2] =	stream.indirect.scatter.add.f32 [tilespmem:s12], [sflag:$0x1], $0x1, s16, s13, $0xb8;
	[tilespmem:$0x1700] =	vst v63  }
0x2a: {  	s16 =	simm.s32 $0x300  }
0x2b: {  	[spmem:s2] =	stream.indirect.scatter.add.f32 [tilespmem:s12], [sflag:$0x1], $0x1, s16, s13, $0xb8;
	[tilespmem:$0x1700] =	vst v63  }
0x2c: {  	s16 =	simm.s32 $0x380  }
0x2d: {  	[spmem:s2] =	stream.indirect.scatter.add.f32 [tilespmem:s12], [sflag:$0x1], $0x1, s16, s13, $0xb8;
	[tilespmem:$0x1700] =	vst v63  }
0x2e: {  	s16 =	simm.s32 $0x400  }
0x2f: {  	[spmem:s2] =	stream.indirect.scatter.add.f32 [tilespmem:s12], [sflag:$0x1], $0x1, s16, s13, $0xb8;
	[tilespmem:$0x1700] =	vst v63  }
0x30: {  	s16 =	simm.s32 $0x480  }
0x31: {  	[spmem:s2] =	stream.indirect.scatter.add.f32 [tilespmem:s12], [sflag:$0x1], $0x1, s16, s13, $0xb8;
	[tilespmem:$0x1700] =	vst v63  }
0x32: {  	s16 =	simm.s32 $0x500  }
0x33: {  	[spmem:s2] =	stream.indirect.scatter.add.f32 [tilespmem:s12], [sflag:$0x1], $0x1, s16, s13, $0xb8;
	[tilespmem:$0x1700] =	vst v63  }
0x34: {  	s16 =	simm.s32 $0x580  }
0x35: {  	[spmem:s2] =	stream.indirect.scatter.add.f32 [tilespmem:s12], [sflag:$0x1], $0x1, s16, s13, $0xb8;
	[tilespmem:$0x1700] =	vst v63  }
0x36: {  	s16 =	simm.s32 $0x600  }
0x37: {  	[spmem:s2] =	stream.indirect.scatter.add.f32 [tilespmem:s12], [sflag:$0x1], $0x1, s16, s13, $0xb8;
	[tilespmem:$0x1700] =	vst v63  }
0x38: {  	s16 =	simm.s32 $0x680  }
0x39: {  	[spmem:s2] =	stream.indirect.scatter.add.f32 [tilespmem:s12], [sflag:$0x1], $0x1, s16, s13, $0xb8;
	[tilespmem:$0x1700] =	vst v63  }
0x3a: {  	s16 =	simm.s32 $0x700  }
0x3b: {  	[spmem:s2] =	stream.indirect.scatter.add.f32 [tilespmem:s12], [sflag:$0x1], $0x1, s16, s13, $0xb8;
	[tilespmem:$0x1700] =	vst v63  }
0x3c: {  	s16 =	simm.s32 $0x780  }
0x3d: {  	[spmem:s2] =	stream.indirect.scatter.add.f32 [tilespmem:s12], [sflag:$0x1], $0x1, s16, s13, $0xb8;
	[tilespmem:$0x1700] =	vst v63  }
0x3e: {  	s16 =	simm.s32 $0x800  }
0x3f: {  	[spmem:s2] =	stream.indirect.scatter.add.f32 [tilespmem:s12], [sflag:$0x1], $0x1, s16, s13, $0xb8;
	[tilespmem:$0x1700] =	vst v63  }
0x40: {  	s16 =	simm.s32 $0x880  }
0x41: {  	[spmem:s2] =	stream.indirect.scatter.add.f32 [tilespmem:s12], [sflag:$0x1], $0x1, s16, s13, $0xb8;
	[tilespmem:$0x1700] =	vst v63  }
0x42: {  	s16 =	simm.s32 $0x900  }
0x43: {  	[spmem:s2] =	stream.indirect.scatter.add.f32 [tilespmem:s12], [sflag:$0x1], $0x1, s16, s13, $0xb8;
	[tilespmem:$0x1700] =	vst v63  }
0x44: {  	s16 =	simm.s32 $0x980  }
0x45: {  	[spmem:s2] =	stream.indirect.scatter.add.f32 [tilespmem:s12], [sflag:$0x1], $0x1, s16, s13, $0xb8;
	[tilespmem:$0x1700] =	vst v63  }
0x46: {  	s16 =	simm.s32 $0xA00  }
0x47: {  	[spmem:s2] =	stream.indirect.scatter.add.f32 [tilespmem:s12], [sflag:$0x1], $0x1, s16, s13, $0xb8;
	[tilespmem:$0x1700] =	vst v63  }
0x48: {  	s16 =	simm.s32 $0xA80  }
0x49: {  	[spmem:s2] =	stream.indirect.scatter.add.f32 [tilespmem:s12], [sflag:$0x1], $0x1, s16, s13, $0xb8;
	[tilespmem:$0x1700] =	vst v63  }
0x4a: {  	s16 =	simm.s32 $0xB00  }
0x4b: {  	[spmem:s2] =	stream.indirect.scatter.add.f32 [tilespmem:s12], [sflag:$0x1], $0x1, s16, s13, $0xb8;
	[tilespmem:$0x1700] =	vst v63  }
0x4c: {  	s16 =	simm.s32 $0xB80  }
0x4d: {  	[spmem:s2] =	stream.indirect.scatter.add.f32 [tilespmem:s12], [sflag:$0x1], $0x1, s16, s13, $0xb8;
	[tilespmem:$0x1700] =	vst v63  }
0x4e: {  	_ = 	snop  }
0x4f: {  	[spmem:s2] =	stream.indirect.scatter.add.f32 [tilespmem:s12], [sflag:$0x1], $0x1, s17, s13, $0xb8;
	[tilespmem:$0x1700] =	vst v63  }
0x50: {  	_ = 	snop  }
0x51: {  	[spmem:s2] =	stream.indirect.scatter.add.f32 [tilespmem:s12], [sflag:$0x1], $0x1, s18, s13, $0xb8;
	[tilespmem:$0x1700] =	vst v63  }
0x52: {  	_ = 	snop  }
0x53: {  	[spmem:s2] =	stream.indirect.scatter.add.f32 [tilespmem:s12], [sflag:$0x1], $0x1, s19, s13, $0xb8;
	[tilespmem:$0x1700] =	vst v63  }
0x54: {  	_ = 	snop  }
0x55: {  	[spmem:s2] =	stream.indirect.scatter.add.f32 [tilespmem:s12], [sflag:$0x1], $0x1, s20, s13, $0xb8;
	[tilespmem:$0x1700] =	vst v63  }
0x56: {  	_ = 	snop  }
0x57: {  	[spmem:s2] =	stream.indirect.scatter.add.f32 [tilespmem:s12], [sflag:$0x1], $0x1, s21, s13, $0xb8;
	[tilespmem:$0x1700] =	vst v63  }
0x58: {  	_ = 	snop  }
0x59: {  	[spmem:s2] =	stream.indirect.scatter.add.f32 [tilespmem:s12], [sflag:$0x1], $0x1, s22, s13, $0xb8;
	[tilespmem:$0x1700] =	vst v63  }
0x5a: {  	_ = 	snop  }
0x5b: {  	[spmem:s2] =	stream.indirect.scatter.add.f32 [tilespmem:s12], [sflag:$0x1], $0x1, s23, s13, $0xb8;
	[tilespmem:$0x1700] =	vst v63  }
0x5c: {  	_ = 	snop  }
0x5d: {  	[spmem:s2] =	stream.indirect.scatter.add.f32 [tilespmem:s12], [sflag:$0x1], $0x1, s24, s13, $0xb8;
	[tilespmem:$0x1700] =	vst v63  }
0x5e: {  	_ = 	snop  }
0x5f: {  	[spmem:s2] =	stream.indirect.scatter.add.f32 [tilespmem:s12], [sflag:$0x1], $0x1, s25, s13, $0xb8;
	[tilespmem:$0x1700] =	vst v63  }
0x60: {  	_ = 	snop  }
0x61: {  	[spmem:s2] =	stream.indirect.scatter.add.f32 [tilespmem:s12], [sflag:$0x1], $0x1, s26, s13, $0xb8;
	[tilespmem:$0x1700] =	vst v63  }
0x62: {  	_ = 	snop  }
0x63: {  	[spmem:s2] =	stream.indirect.scatter.add.f32 [tilespmem:s12], [sflag:$0x1], $0x1, s28, s13, $0xb8;
	[tilespmem:$0x1700] =	vst v63  }
0x64: {  	_ = 	snop  }
0x65: {  	[spmem:s2] =	stream.indirect.scatter.add.f32 [tilespmem:s12], [sflag:$0x1], $0x1, s29, s13, $0xb8;
	[tilespmem:$0x1700] =	vst v63  }
0x66: {  	_ = 	snop  }
0x67: {  	[spmem:s2] =	stream.indirect.scatter.add.f32 [tilespmem:s12], [sflag:$0x1], $0x1, s30, s13, $0xb8;
	[tilespmem:$0x1700] =	vst v63  }
0x68: {  	_ = 	snop  }
0x69: {  	[spmem:s2] =	stream.indirect.scatter.add.f32 [tilespmem:s12], [sflag:$0x1], $0x1, s31, s13, $0xb8;
	[tilespmem:$0x1700] =	vst v63  }
0x6a: {  	_ = 	snop  }
0x6b: {  	[spmem:s2] =	stream.indirect.scatter.add.f32 [tilespmem:s12], [sflag:$0x1], $0x1, s1, s13, $0xb8;
	[tilespmem:$0x1700] =	vst v63  }
0x6c: {  	_ = 	snop  }
0x6d: {  	[spmem:s2] =	stream.indirect.scatter.add.f32 [tilespmem:s12], [sflag:$0x1], $0x1, s0, s13, $0xb8;
	[tilespmem:$0x1700] =	vst v63  }
0x6e: {  	_ =	swait.ge [sflag:s14], $0x80  }
0x6f: {  	s16 =	simm.s32 $0x27;
	[sflag:s14] =	ssyncset.done $0x0  }
.LBB2_2:
0x70: {  	p0 =	sne.s32 s16, $0x1;
	s16 =	sadd.s32 $0xFFFFFFFF, s16;
	[sflag:s14] =	ssyncadd.s32 $0xFFFFFF80  }
.Ltmp0:
0x71: {  	(pc) =	sbr.rel @p0 .LBB2_2-.Ltmp0, $3  }
0x72: {  	_ =	sdelay $0x1  }
0x73: {  	_ =	swait.ge [sflag:s14], $0x80  }
0x74: {  	[sflag:s14] =	ssyncset.done $0x0  }
0x75: {  	s15 =	sadd.s32 $0x1, s15  }
0x76: {  	[sflag:s14] =	ssyncadd.s32 $0xFFFFFF80;
	p0 =	sne.s32 s15, s9  }
.Ltmp1:
0x77: {  	[bflag:$0x0] =	sbarrier.arrive $0xFFFF;
	(pc) =	sbr.rel @p0 .LBB2_1-.Ltmp1, $4  }
0x78: {  	[hbm:s8], [sflag:s6] =	dma.local [spmem:s10], $0x50  }
0x79: {  	_ =	swait.ge [sflag:s11], $0x50  }
0x7a: {  	[sflag:s11] =	ssyncset.done $0x0  }
0x7b: {  	[sflag:s11] =	ssyncadd.s32 $0xFFFFFFB0  }
0x7c: {  	_ =	sfence.sel $0x180000  }
0x7d: {  	[bflag:$0x0] =	sbarrier.arrive $0xFFFF  }
0x7e: {  	_ =	strace $0x9000004A  }
0x7f: {  	s0 =	stileid.u32;
	[bflag:$0x2] =	sbarrier.arrive $0xFFFF  }
0x80: {  	p0 =	sne.s32 s0, $0x0;
	s0 =	rddreg [dreg:$0x2]  }
0x81: {  	s0 =	sadd.s32 @!p0 $0x100000, s0  }
0x82: {  	[sflag:s0] =	ssyncadd.tile.s32 @!p0 $0x1;
	_ =	shalt  }
.Lfunc_end2:
_tile_overlayer_lowered:
.L_overlay_start_2:
0x83: {  	(tag) =	ssettag $0x2  }
0x84: {  	s0 =	rddreg [dreg:$0x0];
	s2 =	stileid.u32  }
0x85: {  	s1 =	rddreg [dreg:$0x1];
	p0 =	sne.s32 s2, $0x0  }
0x86: {  	s3 =	rddreg [dreg:$0x2];
	[bflag:$0x3] =	sbarrier.arrive $0xFFFF;
	s2 =	simm.s32 @!p0 $0x1C02  }
0x87: {  	[timem:s3], [sflag:s2] =	dma.local @!p0 [hbm:s0], s1  }
0x88: {  	s0 =	simm.s32 @!p0 $0x2  }
0x89: {  	_ =	swait.ge @!p0 [sflag:s0], s1  }
0x8a: {  	s1 =	ssub.s32 @!p0 $0x0, s1;
	[sflag:s0] =	ssyncset.done @!p0 $0x0  }
0x8b: {  	[sflag:s0] =	ssyncadd.s32 @!p0 s1  }
0x8c: {  	[bflag:$0x3] =	sbarrier.arrive $0xFFFF  }
0x8d: {  	_ =	shalt  }

</sc_bundles>
